<compile_context>
chip_gen: v7x
topology: tpu7x:2x2x1
jax: 0.10.2.dev20260603
libtpu: 0.0.44.dev20260713+nightly
codegen_flags: <defaults>
</compile_context>

<pallas_src>
import functools
import math

import jax
import jax.numpy as jnp
from jax import lax
from jax.experimental import pallas as pl
from jax.experimental.pallas import tpu as pltpu
from jax.experimental.pallas import tpu_sc as plsc

H = 1024
RATIO = 4
SELK = 512
WIN = 256
SCALE = 1.0 / math.sqrt(H // 16)
TILE = 256
BF = jnp.bfloat16
F32 = jnp.float32


def _cp(ndims):
    return pltpu.CompilerParams(dimension_semantics=("parallel",) * ndims)


def _softmax(s):
    m = jnp.max(s, axis=-1, keepdims=True)
    e = jnp.exp(s - m)
    return e / jnp.sum(e, axis=-1, keepdims=True)


def _w_spec(shape):
    return pl.BlockSpec(shape, lambda *a: (0,) * len(shape))


def _row_spec(n):
    return pl.BlockSpec((1, n, H), lambda b, t: (b, t, 0))



def _qkv_score_body(x_ref, wq, bq, wk, bk, wv, bv, ws, bs,
                    q_out, k_out, v_out, s_out, xh_out):
    x = x_ref[0]
    x16 = x.astype(BF)
    xh_out[0] = x16
    q_out[0] = (jnp.dot(x16, wq[...], preferred_element_type=F32)
                + bq[0]).astype(BF)
    k_out[0] = (jnp.dot(x16, wk[...], preferred_element_type=F32)
                + bk[0]).astype(BF)
    v_out[0] = (jnp.dot(x16, wv[...], preferred_element_type=F32)
                + bv[0]).astype(BF)
    s_out[0] = lax.dot_general(ws[...], x, (((1,), (1,)), ((), ())),
                               preferred_element_type=F32) + bs[...]


def _qkv_score(x, Wq, bq, Wk, bk, Wv, bv, Wst, bs):
    B, S, _ = x.shape
    return pl.pallas_call(
        _qkv_score_body,
        grid=(B, S // TILE),
        compiler_params=_cp(2),
        in_specs=[
            _row_spec(TILE),
            _w_spec((H, H)), _w_spec((1, H)),
            _w_spec((H, H)), _w_spec((1, H)),
            _w_spec((H, H)), _w_spec((1, H)),
            _w_spec((1, H)), _w_spec((1, 1)),
        ],
        out_specs=[_row_spec(TILE), _row_spec(TILE), _row_spec(TILE),
                   pl.BlockSpec((1, 1, TILE), lambda b, t: (b, 0, t)),
                   _row_spec(TILE)],
        out_shape=[jax.ShapeDtypeStruct((B, S, H), BF)] * 3 + [
            jax.ShapeDtypeStruct((B, 1, S), F32),
            jax.ShapeDtypeStruct((B, S, H), BF)],
    )(x, Wq, bq, Wk, bk, Wv, bv, Wst, bs)



def _comp_branch_body(blk_ref, wc, bc, wq, bq, wk, bk, wv, bv, o_ref):
    c = (jnp.dot(blk_ref[0], wc[...],
                 preferred_element_type=F32) + bc[0]).astype(BF)
    qc = jnp.dot(c, wq[...], preferred_element_type=F32) + bq[0]
    kc = jnp.dot(c, wk[...], preferred_element_type=F32) + bk[0]
    vc = jnp.dot(c, wv[...], preferred_element_type=F32) + bv[0]
    s = jnp.dot(qc, kc.T, preferred_element_type=F32) * SCALE
    o_ref[0] = jnp.dot(_softmax(s).astype(BF), vc.astype(BF),
                       preferred_element_type=F32).astype(BF)


def _comp_branch(blocks, Wc, bc, Wq, bq, Wk, bk, Wv, bv):
    B, NB, D = blocks.shape
    w = lambda shape: pl.BlockSpec(shape, lambda b: (0,) * len(shape))
    return pl.pallas_call(
        _comp_branch_body,
        grid=(B,),
        compiler_params=_cp(1),
        in_specs=[pl.BlockSpec((1, NB, D), lambda b: (b, 0, 0)),
                  w((D, H)), w((1, H)),
                  w((H, H)), w((1, H)),
                  w((H, H)), w((1, H)),
                  w((H, H)), w((1, H))],
        out_specs=pl.BlockSpec((1, NB, H), lambda b: (b, 0, 0)),
        out_shape=jax.ShapeDtypeStruct((B, NB, H), BF),
    )(blocks, Wc, bc, Wq, bq, Wk, bk, Wv, bv)



def _excl_prefix(f):
    R, S = f.shape
    x = f
    k = 1
    while k < S:
        x = x + jnp.concatenate([jnp.zeros((R, k), f.dtype), x[:, :-k]], axis=1)
        k *= 2
    return x - f


def _sel_topk_body(s_ref, d_ref):
    B = s_ref.shape[0]
    x = s_ref[:, 0, :] + 0.0
    kf = float(SELK)

    u = lax.bitcast_convert_type(x, jnp.int32)
    key = u ^ ((u >> 31) & jnp.int32(0x7FFFFFFF))
    lo0 = jnp.min(key, axis=1, keepdims=True)
    hi0 = jnp.max(key, axis=1, keepdims=True) + 1

    def body(_, lohi):
        lo, hi = lohi
        mid = (lo & hi) + ((lo ^ hi) >> 1)
        cnt = jnp.sum((key >= mid).astype(F32), axis=1, keepdims=True)
        ge = cnt >= kf
        return (jnp.where(ge, mid, lo), jnp.where(ge, hi, mid))

    lo, _ = lax.fori_loop(0, 32, body, (lo0, hi0))

    gt = key > lo
    eq = key == lo
    need = kf - jnp.sum(gt.astype(F32), axis=1, keepdims=True)
    eq_excl = _excl_prefix(eq.astype(F32))
    sel = gt | (eq & (eq_excl < need))
    pos = _excl_prefix(sel.astype(F32)).astype(jnp.int32)
    offs = lax.broadcasted_iota(jnp.int32, (B, x.shape[1]), 0) * SELK
    d_ref[:, 0, :] = jnp.where(sel, pos + offs, jnp.int32(B * SELK))


def _sel_topk(scores):
    B, _, S = scores.shape
    return pl.pallas_call(
        _sel_topk_body,
        in_specs=[pl.BlockSpec((B, 1, S), lambda: (0, 0, 0))],
        out_specs=pl.BlockSpec((B, 1, S), lambda: (0, 0, 0)),
        out_shape=jax.ShapeDtypeStruct((B, 1, S), jnp.int32),
    )(scores)


def _sc_scatter(xh32, dest, nbatch):
    nrows, width = xh32.shape
    info = plsc.get_sparse_core_info()
    nw = info.num_cores * info.num_subcores
    chunk = nrows // nw
    out_rows = nbatch * SELK + 8
    mesh = plsc.VectorSubcoreMesh(core_axis_name="c", subcore_axis_name="s")

    @functools.partial(
        pl.kernel, mesh=mesh,
        out_type=jax.ShapeDtypeStruct((out_rows, width), jnp.int32),
        scratch_types=[
            pltpu.VMEM((chunk,), jnp.int32),
            pltpu.VMEM((chunk, width), jnp.int32),
            pltpu.SemaphoreType.DMA,
        ],
    )
    def k(xh_hbm, dest_hbm, out_hbm, idx_v, rows_v, sem):
        wid = lax.axis_index("s") * info.num_cores + lax.axis_index("c")
        base = wid * chunk
        pltpu.sync_copy(dest_hbm.at[pl.ds(base, chunk)], idx_v)
        pltpu.sync_copy(xh_hbm.at[pl.ds(base, chunk)], rows_v)
        pltpu.async_copy(rows_v, out_hbm.at[idx_v], sem).wait()

    return k(xh32, dest)


def _sel_attn_body(x_ref, wq, bq, wk, bk, wv, bv, o_ref):
    sx = x_ref[0]
    qs = jnp.dot(sx, wq[...], preferred_element_type=F32) + bq[0]
    ks = jnp.dot(sx, wk[...], preferred_element_type=F32) + bk[0]
    vs = jnp.dot(sx, wv[...], preferred_element_type=F32) + bv[0]
    s = jnp.dot(qs.astype(BF), ks.astype(BF).T,
                preferred_element_type=F32) * SCALE
    o_ref[0] = jnp.dot(_softmax(s).astype(BF), vs.astype(BF),
                       preferred_element_type=F32).astype(BF)


def _sel_attn(selx, Wq, bq, Wk, bk, Wv, bv):
    B = selx.shape[0]
    return pl.pallas_call(
        _sel_attn_body,
        grid=(B,),
        compiler_params=_cp(1),
        in_specs=[pl.BlockSpec((1, SELK, H), lambda b: (b, 0, 0)),
                  _w_spec((H, H)), _w_spec((1, H)),
                  _w_spec((H, H)), _w_spec((1, H)),
                  _w_spec((H, H)), _w_spec((1, H))],
        out_specs=pl.BlockSpec((1, SELK, H), lambda b: (b, 0, 0)),
        out_shape=jax.ShapeDtypeStruct((B, SELK, H), BF),
    )(selx, Wq, bq, Wk, bk, Wv, bv)



def _win_attn(qlo, qhi, klo, khi, vlo, vhi):
    q = jnp.concatenate([qlo[0], qhi[0]], axis=0)
    k = jnp.concatenate([klo[0], khi[0]], axis=0)
    v = jnp.concatenate([vlo[0], vhi[0]], axis=0)
    s = jnp.dot(q, k.T, preferred_element_type=F32) * SCALE
    return jnp.dot(_softmax(s).astype(BF), v, preferred_element_type=F32)


def _finish(out, x):
    r = out * 0.5 + x * 0.5
    mu = jnp.mean(r, axis=-1, keepdims=True)
    var = jnp.mean((r - mu) ** 2, axis=-1, keepdims=True)
    return (r - mu) / jnp.sqrt(var + 1e-6)


def _gates(x, wg, bg):
    g = jax.nn.sigmoid(jnp.dot(x, wg[...], preferred_element_type=F32) + bg[0])
    return g / (jnp.sum(g, axis=-1, keepdims=True) + 1e-6)


def _combine_body(qlo, qhi, klo, khi, vlo, vhi, hs_ref, comp_ref, sel_ref,
                  wg, bg, wo1, wo2, wo3, bo, o_ref, acc_ref):
    j = pl.program_id(1)
    x = hs_ref[0]
    g = _gates(x, wg, bg)
    win = _win_attn(qlo, qhi, klo, khi, vlo, vhi)
    acc_ref[...] = jnp.dot((win * g[:, 2:3]).astype(BF), wo3[...],
                           preferred_element_type=F32) + bo[0]

    @pl.when(j < SELK // WIN)
    def _():
        extra = jnp.dot((comp_ref[0].astype(F32) * g[:, 0:1]).astype(BF),
                        wo1[...], preferred_element_type=F32)
        extra += jnp.dot((sel_ref[0].astype(F32) * g[:, 1:2]).astype(BF),
                         wo2[...], preferred_element_type=F32)
        acc_ref[...] += extra

    o_ref[0] = _finish(acc_ref[...], x)


def _combine(hs, q, k, v, comp_out, sel_out, Wg, bg, Wo1, Wo2, Wo3, bo):
    B, S, _ = hs.shape
    HW = WIN // 2
    NJ = S // WIN
    lo = pl.BlockSpec((1, HW, H), lambda b, j: (b, j, 0))
    hi = pl.BlockSpec((1, HW, H), lambda b, j: (b, j + 1, 0))
    tile = _row_spec(WIN)
    cs_tile = pl.BlockSpec((1, WIN, H), lambda b, j: (b, jnp.minimum(j, SELK // WIN - 1), 0))
    return pl.pallas_call(
        _combine_body,
        grid=(B, NJ),
        compiler_params=_cp(2),
        in_specs=[lo, hi, lo, hi, lo, hi, tile, cs_tile, cs_tile,
                  _w_spec((H, 3)), _w_spec((1, 3)),
                  _w_spec((H, H)), _w_spec((H, H)), _w_spec((H, H)),
                  _w_spec((1, H))],
        out_specs=tile,
        out_shape=jax.ShapeDtypeStruct((B, S, H), F32),
        scratch_shapes=[pltpu.VMEM((WIN, H), F32)],
    )(q, q, k, k, v, v, hs, comp_out, sel_out, Wg, bg, Wo1, Wo2, Wo3, bo)



def kernel(hidden_states, Wq, bq, Wk, bk, Wv, bv, Wo, bo, Wg, bg, Wc, bc, Ws, bs):
    B, S, _ = hidden_states.shape
    bq2, bk2, bv2 = bq[None, :], bk[None, :], bv[None, :]
    bs2, bg2, bo2, bc2 = bs[None, :], bg[None, :], bo[None, :], bc[None, :]
    Wst = Ws.T
    Wq16, Wk16, Wv16 = Wq.astype(BF), Wk.astype(BF), Wv.astype(BF)
    Wc16 = Wc.astype(BF)
    Wo16 = Wo.astype(BF)
    Wo1, Wo2, Wo3 = Wo16[:H], Wo16[H:2 * H], Wo16[2 * H:]

    q, k, v, scores, xh = _qkv_score(hidden_states, Wq16, bq2, Wk16, bk2,
                                     Wv16, bv2, Wst, bs2)

    dest = _sel_topk(scores).reshape(B * S)
    xh32 = lax.bitcast_convert_type(xh.reshape(B * S, H // 2, 2), jnp.int32)
    out32 = _sc_scatter(xh32, dest, B)

    blocks = xh.reshape(B, S // RATIO, RATIO * H)
    comp_out = _comp_branch(blocks, Wc16, bc2, Wq16, bq2, Wk16, bk2, Wv16, bv2)

    selx = lax.bitcast_convert_type(out32[:B * SELK], BF).reshape(B, SELK, H)
    sel_out = _sel_attn(selx, Wq16, bq2, Wk16, bk2, Wv16, bv2)

    return _combine(hidden_states, q, k, v, comp_out, sel_out,
                    Wg, bg2, Wo1, Wo2, Wo3, bo2)

# --- scband reference (transcript-rebuilt; emitter-appended) ---
"""Pipeline reference for scband-nsaattention-extended-41231686041988 (READ-ONLY COPY).

The authoritative reference and input builder live on the scoring server;
editing this copy changes nothing except your own understanding.
"""

import jax, jax.numpy as jnp
import numpy as np
import math

H = 1024
NH = 16
RATIO = 4
SELK = 512
WIN = 256
SCALE = 1.0 / math.sqrt(H // NH)


def _adjust(t, target):
    cur = t.shape[1]
    if cur == target:
        return t
    if cur < target:
        pad = jnp.zeros((t.shape[0], target - cur) + t.shape[2:], t.dtype)
        return jnp.concatenate([t, pad], axis=1)
    return t[:, :target]


def _attn(x, Wq, bq, Wk, bk, Wv, bv):
    q = x @ Wq + bq
    k = x @ Wk + bk
    v = x @ Wv + bv
    s = jnp.einsum('bqd,bkd->bqk', q, k) * SCALE
    p = jax.nn.softmax(s, axis=-1)
    return jnp.einsum('bqk,bkd->bqd', p, v)


def setup_inputs(seed: int = 0):
    key = jax.random.key(seed)
    ks = jax.random.split(key, 9)
    def W(k, fin, fout):
        return jax.random.normal(k, (fin, fout), jnp.float32) * 0.02
    return {
        'hidden_states': jax.random.normal(ks[0], (2, 2048, H), jnp.float32),
        'Wq': W(ks[1], H, H), 'bq': jnp.zeros((H,), jnp.float32),
        'Wk': W(ks[2], H, H), 'bk': jnp.zeros((H,), jnp.float32),
        'Wv': W(ks[3], H, H), 'bv': jnp.zeros((H,), jnp.float32),
        'Wo': W(ks[4], 3 * H, H), 'bo': jnp.zeros((H,), jnp.float32),
        'Wg': W(ks[5], H, 3), 'bg': jnp.zeros((3,), jnp.float32),
        'Wc': W(ks[6], RATIO * H, H), 'bc': jnp.zeros((H,), jnp.float32),
        'Ws': W(ks[7], H, 1), 'bs': jnp.zeros((1,), jnp.float32),
    }


def reference(hidden_states, Wq, bq, Wk, bk, Wv, bv, Wo, bo, Wg, bg, Wc, bc, Ws, bs):
    B, S, _ = hidden_states.shape
    gates = jax.nn.sigmoid(hidden_states @ Wg + bg)
    gates = gates / (jnp.sum(gates, axis=-1, keepdims=True) + 1e-06)
    # compress branch
    pad = (-S) % RATIO
    hc = jnp.pad(hidden_states, ((0, 0), (0, pad), (0, 0))) if pad else hidden_states
    blocks = hc.reshape(B, -1, RATIO * H)
    compressed = blocks @ Wc + bc
    comp_out = _adjust(_attn(compressed, Wq, bq, Wk, bk, Wv, bv), S)
    # select branch
    k_eff = min(SELK, S)
    scores = (hidden_states @ Ws + bs)[..., 0]
    _, idx = jax.lax.top_k(scores, k_eff)
    idx = jnp.sort(idx, axis=-1)
    selected = jnp.take_along_axis(hidden_states, idx[..., None], axis=1)
    sel_out = _adjust(_attn(selected, Wq, bq, Wk, bk, Wv, bv), S)
    # sliding window branch
    w = min(WIN, S)
    padw = (-S) % w
    hw = jnp.pad(hidden_states, ((0, 0), (0, padw), (0, 0))) if padw else hidden_states
    L = hw.shape[1]
    outs = []
    for i in range(0, L - w + 1, w // 2):
        outs.append(_attn(hw[:, i:i + w], Wq, bq, Wk, bk, Wv, bv))
    win_out = _adjust(jnp.concatenate(outs, axis=1), S)
    combined = jnp.concatenate([comp_out * gates[..., 0:1], sel_out * gates[..., 1:2], win_out * gates[..., 2:3]], axis=-1)
    out = combined @ Wo + bo
    out = out * 0.5 + hidden_states * 0.5
    mu = jnp.mean(out, axis=-1, keepdims=True)
    var = jnp.mean((out - mu) ** 2, axis=-1, keepdims=True)
    return (out - mu) / jnp.sqrt(var + 1e-06)

if __name__ == "__main__":
    import jax
    _d = setup_inputs()
    print(jax.jit(kernel)(*tuple(_d.values())))

</pallas_src>

<mosaic_0001>
#map = affine_map<(d0, d1) -> (0, 0)>
#map1 = affine_map<(d0, d1) -> (0)>
module attributes {stable_mosaic.version = 14 : i64} {
  func.func @k(%arg0: i32, %arg1: i32, %arg2: memref<4096x512xi32, #tpu.memory_space<hbm>>, %arg3: memref<4096xi32, #tpu.memory_space<hbm>>, %arg4: memref<1032x512xi32, #tpu.memory_space<hbm>>, %arg5: memref<128xi32, #tpu.memory_space<vmem>>, %arg6: memref<128x512xi32, #tpu.memory_space<vmem>>, %arg7: memref<!tpu.dma_semaphore, #tpu.memory_space<semaphore_mem>>) attributes {dimension_semantics = [#tpu.dimension_semantics<core_parallel>, #tpu.dimension_semantics<subcore_parallel>], iteration_bounds = array<i64: 2, 16>, scalar_prefetch = 0 : i64, scratch_operands = 3 : i64, tpu.core_type = #tpu.core_type<sc_vector_subcore>, window_params = [{transform_indices = #map}, {transform_indices = #map1}, {transform_indices = #map}]} {
    %mul3A = arith.constant 2 : i32
    %mul3A_0 = arith.muli %arg1, %mul3A : i32
    %add3A = arith.addi %mul3A_0, %arg0 : i32
    %mul3A_1 = arith.constant 128 : i32
    %mul3A_2 = arith.muli %add3A, %mul3A_1 : i32
    "tpu.region"() ({
      %run_scoped3A = tpu.sem_alloc : memref<!tpu.dma_semaphore, #tpu.memory_space<semaphore_mem>>
      %dma_start3A_7 = tpu.memref_slice %arg3[%mul3A_2] : memref<4096xi32, #tpu.memory_space<hbm>> -> memref<128xi32, #tpu.memory_space<hbm>>
      %dma_start3A_8 = tpu.memref_slice %arg3[%mul3A_2] : memref<4096xi32, #tpu.memory_space<hbm>> -> memref<128xi32, #tpu.memory_space<hbm>>
      tpu.enqueue_dma source(%dma_start3A_8 : memref<128xi32, #tpu.memory_space<hbm>>) target(%arg5 : memref<128xi32, #tpu.memory_space<vmem>>) target_semaphore(%run_scoped3A : memref<!tpu.dma_semaphore, #tpu.memory_space<semaphore_mem>>)
      %dma_wait3A_9 = tpu.memref_slice %arg3[%mul3A_2] : memref<4096xi32, #tpu.memory_space<hbm>> -> memref<128xi32, #tpu.memory_space<hbm>>
      %dma_wait3A_10 = tpu.memref_slice %arg3[%mul3A_2] : memref<4096xi32, #tpu.memory_space<hbm>> -> memref<128xi32, #tpu.memory_space<hbm>>
      tpu.wait_dma2 semaphore(%run_scoped3A : memref<!tpu.dma_semaphore, #tpu.memory_space<semaphore_mem>>) src(%dma_wait3A_10 : memref<128xi32, #tpu.memory_space<hbm>>) dst(%arg5 : memref<128xi32, #tpu.memory_space<vmem>>)
      tpu.yield
    }) : () -> ()
    "tpu.region"() ({
      %run_scoped3A = tpu.sem_alloc : memref<!tpu.dma_semaphore, #tpu.memory_space<semaphore_mem>>
      %dma_start3A_7 = arith.constant 0 : i32
      %dma_start3A_8 = tpu.memref_slice %arg2[%mul3A_2, %dma_start3A_7] : memref<4096x512xi32, #tpu.memory_space<hbm>> -> memref<128x512xi32, #tpu.memory_space<hbm>>
      %dma_start3A_9 = arith.constant 0 : i32
      %dma_start3A_10 = tpu.memref_slice %arg2[%mul3A_2, %dma_start3A_9] : memref<4096x512xi32, #tpu.memory_space<hbm>> -> memref<128x512xi32, #tpu.memory_space<hbm>>
      tpu.enqueue_dma source(%dma_start3A_10 : memref<128x512xi32, #tpu.memory_space<hbm>>) target(%arg6 : memref<128x512xi32, #tpu.memory_space<vmem>>) target_semaphore(%run_scoped3A : memref<!tpu.dma_semaphore, #tpu.memory_space<semaphore_mem>>)
      %dma_wait3A_11 = arith.constant 0 : i32
      %dma_wait3A_12 = tpu.memref_slice %arg2[%mul3A_2, %dma_wait3A_11] : memref<4096x512xi32, #tpu.memory_space<hbm>> -> memref<128x512xi32, #tpu.memory_space<hbm>>
      %dma_wait3A_13 = arith.constant 0 : i32
      %dma_wait3A_14 = tpu.memref_slice %arg2[%mul3A_2, %dma_wait3A_13] : memref<4096x512xi32, #tpu.memory_space<hbm>> -> memref<128x512xi32, #tpu.memory_space<hbm>>
      tpu.wait_dma2 semaphore(%run_scoped3A : memref<!tpu.dma_semaphore, #tpu.memory_space<semaphore_mem>>) src(%dma_wait3A_14 : memref<128x512xi32, #tpu.memory_space<hbm>>) dst(%arg6 : memref<128x512xi32, #tpu.memory_space<vmem>>)
      tpu.yield
    }) : () -> ()
    %dma_start3A = arith.constant 0 : i32
    %dma_start3A_3 = arith.constant 0 : i32
    %dma_start3A_4 = tpu.memref_slice %arg4[%dma_start3A, %dma_start3A_3] : memref<1032x512xi32, #tpu.memory_space<hbm>> -> memref<1032x512xi32, #tpu.memory_space<hbm>>
    tpu.enqueue_indirect_dma source(%arg6 : memref<128x512xi32, #tpu.memory_space<vmem>>) target(%dma_start3A_4 : memref<1032x512xi32, #tpu.memory_space<hbm>>) offsets(%arg5 : memref<128xi32, #tpu.memory_space<vmem>>) semaphore(%arg7 : memref<!tpu.dma_semaphore, #tpu.memory_space<semaphore_mem>>)
    %dma_wait3A = arith.constant 0 : i32
    %dma_wait3A_5 = arith.constant 0 : i32
    %dma_wait3A_6 = tpu.memref_slice %arg4[%dma_wait3A, %dma_wait3A_5] : memref<1032x512xi32, #tpu.memory_space<hbm>> -> memref<1032x512xi32, #tpu.memory_space<hbm>>
    tpu.wait_indirect_dma semaphore(%arg7 : memref<!tpu.dma_semaphore, #tpu.memory_space<semaphore_mem>>) src(%arg6 : memref<128x512xi32, #tpu.memory_space<vmem>>) dst(%dma_wait3A_6 : memref<1032x512xi32, #tpu.memory_space<hbm>>)
    return
  }
}

module attributes {stable_mosaic.version = 14 : i64} {
  func.func @_qkv_score_body(%arg0: i32, %arg1: i32, %arg2: memref<1x256x1024xf32, #tpu.memory_space<vmem>>, %arg3: memref<1024x1024xbf16, #tpu.memory_space<vmem>>, %arg4: memref<1x1024xf32, #tpu.memory_space<vmem>>, %arg5: memref<1024x1024xbf16, #tpu.memory_space<vmem>>, %arg6: memref<1x1024xf32, #tpu.memory_space<vmem>>, %arg7: memref<1024x1024xbf16, #tpu.memory_space<vmem>>, %arg8: memref<1x1024xf32, #tpu.memory_space<vmem>>, %arg9: memref<1x1024xf32, #tpu.memory_space<vmem>>, %arg10: memref<1x1xf32, #tpu.memory_space<vmem>>, %arg11: memref<1x256x1024xbf16, #tpu.memory_space<vmem>>, %arg12: memref<1x256x1024xbf16, #tpu.memory_space<vmem>>, %arg13: memref<1x256x1024xbf16, #tpu.memory_space<vmem>>, %arg14: memref<1x1x256xf32, #tpu.memory_space<vmem>>, %arg15: memref<1x256x1024xbf16, #tpu.memory_space<vmem>>) attributes {dimension_semantics = [#tpu.dimension_semantics<parallel>, #tpu.dimension_semantics<parallel>], iteration_bounds = array<i64: 2, 8>, scalar_prefetch = 0 : i64, scratch_operands = 0 : i64, tpu.core_type = #tpu.core_type<tc>, window_params = [{transform_indices = @transform_0, window_bounds = array<i64: 1, 256, 1024>}, {pipeline_mode = #tpu.pipeline_mode<synchronous>, transform_indices = @transform_1, window_bounds = array<i64: 1024, 1024>}, {pipeline_mode = #tpu.pipeline_mode<synchronous>, transform_indices = @transform_2, window_bounds = array<i64: 1, 1024>}, {pipeline_mode = #tpu.pipeline_mode<synchronous>, transform_indices = @transform_3, window_bounds = array<i64: 1024, 1024>}, {pipeline_mode = #tpu.pipeline_mode<synchronous>, transform_indices = @transform_4, window_bounds = array<i64: 1, 1024>}, {pipeline_mode = #tpu.pipeline_mode<synchronous>, transform_indices = @transform_5, window_bounds = array<i64: 1024, 1024>}, {pipeline_mode = #tpu.pipeline_mode<synchronous>, transform_indices = @transform_6, window_bounds = array<i64: 1, 1024>}, {pipeline_mode = #tpu.pipeline_mode<synchronous>, transform_indices = @transform_7, window_bounds = array<i64: 1, 1024>}, {pipeline_mode = #tpu.pipeline_mode<synchronous>, transform_indices = @transform_8, window_bounds = array<i64: 1, 1>}, {transform_indices = @transform_9, window_bounds = array<i64: 1, 256, 1024>}, {transform_indices = @transform_10, window_bounds = array<i64: 1, 256, 1024>}, {transform_indices = @transform_11, window_bounds = array<i64: 1, 256, 1024>}, {transform_indices = @transform_12, window_bounds = array<i64: 1, 1, 256>}, {transform_indices = @transform_13, window_bounds = array<i64: 1, 256, 1024>}]} {
    %get3A = arith.constant 0 : index
    %get3A_0 = arith.constant 0 : index
    %get3A_1 = arith.constant 0 : index
    %get3A_2 = vector.load %arg2[%get3A, %get3A_0, %get3A_1] : memref<1x256x1024xf32, #tpu.memory_space<vmem>>, vector<1x256x1024xf32>
    %get3A_3 = vector.shape_cast %get3A_2 : vector<1x256x1024xf32> to vector<256x1024xf32>
    %convert_element_type3A = arith.truncf %get3A_3 : vector<256x1024xf32> to vector<256x1024xbf16>
    %swap3A = arith.constant 0 : index
    %swap3A_4 = arith.constant 0 : index
    %swap3A_5 = arith.constant 0 : index
    %swap3A_6 = vector.load %arg15[%swap3A, %swap3A_4, %swap3A_5] : memref<1x256x1024xbf16, #tpu.memory_space<vmem>>, vector<1x256x1024xbf16>
    %swap3A_7 = vector.shape_cast %swap3A_6 : vector<1x256x1024xbf16> to vector<256x1024xbf16>
    %swap3A_8 = vector.shape_cast %convert_element_type3A : vector<256x1024xbf16> to vector<1x256x1024xbf16>
    tpu.vector_store %arg15[%swap3A, %swap3A_4, %swap3A_5], %swap3A_8 {strides = array<i32>} : memref<1x256x1024xbf16, #tpu.memory_space<vmem>>, vector<1x256x1024xbf16>,
    %get3A_9 = arith.constant 0 : index
    %get3A_10 = arith.constant 0 : index
    %get3A_11 = vector.load %arg3[%get3A_9, %get3A_10] : memref<1024x1024xbf16, #tpu.memory_space<vmem>>, vector<1024x1024xbf16>
    %dot_general3A = arith.constant dense<0.000000e+00> : vector<256x1024xf32>
    %dot_general3A_12 = tpu.matmul %convert_element_type3A, %get3A_11, %dot_general3A {dimension_numbers = #tpu.dot_dimension_numbers<[1], [0], [0], [1], [0, 0, 1, 1], [], []>, transpose_lhs_hint = false} : vector<256x1024xbf16>, vector<1024x1024xbf16>, vector<256x1024xf32> -> vector<256x1024xf32>
    %get3A_13 = arith.constant 0 : index
    %get3A_14 = arith.constant 0 : index
    %get3A_15 = vector.load %arg4[%get3A_13, %get3A_14] : memref<1x1024xf32, #tpu.memory_space<vmem>>, vector<1x1024xf32>
    %get3A_16 = vector.shape_cast %get3A_15 : vector<1x1024xf32> to vector<1024xf32>
    %broadcast_in_dim3A = vector.shape_cast %get3A_16 : vector<1024xf32> to vector<1x1024xf32>
    %add3A = vector.broadcast %broadcast_in_dim3A : vector<1x1024xf32> to vector<256x1024xf32>
    %add3A_17 = arith.addf %dot_general3A_12, %add3A : vector<256x1024xf32>
    %convert_element_type3A_18 = arith.truncf %add3A_17 : vector<256x1024xf32> to vector<256x1024xbf16>
    %swap3A_19 = arith.constant 0 : index
    %swap3A_20 = arith.constant 0 : index
    %swap3A_21 = arith.constant 0 : index
    %swap3A_22 = vector.load %arg11[%swap3A_19, %swap3A_20, %swap3A_21] : memref<1x256x1024xbf16, #tpu.memory_space<vmem>>, vector<1x256x1024xbf16>
    %swap3A_23 = vector.shape_cast %swap3A_22 : vector<1x256x1024xbf16> to vector<256x1024xbf16>
    %swap3A_24 = vector.shape_cast %convert_element_type3A_18 : vector<256x1024xbf16> to vector<1x256x1024xbf16>
    tpu.vector_store %arg11[%swap3A_19, %swap3A_20, %swap3A_21], %swap3A_24 {strides = array<i32>} : memref<1x256x1024xbf16, #tpu.memory_space<vmem>>, vector<1x256x1024xbf16>,
    %get3A_25 = arith.constant 0 : index
    %get3A_26 = arith.constant 0 : index
    %get3A_27 = vector.load %arg5[%get3A_25, %get3A_26] : memref<1024x1024xbf16, #tpu.memory_space<vmem>>, vector<1024x1024xbf16>
    %dot_general3A_28 = arith.constant dense<0.000000e+00> : vector<256x1024xf32>
    %dot_general3A_29 = tpu.matmul %convert_element_type3A, %get3A_27, %dot_general3A_28 {dimension_numbers = #tpu.dot_dimension_numbers<[1], [0], [0], [1], [0, 0, 1, 1], [], []>, transpose_lhs_hint = false} : vector<256x1024xbf16>, vector<1024x1024xbf16>, vector<256x1024xf32> -> vector<256x1024xf32>
    %get3A_30 = arith.constant 0 : index
    %get3A_31 = arith.constant 0 : index
    %get3A_32 = vector.load %arg6[%get3A_30, %get3A_31] : memref<1x1024xf32, #tpu.memory_space<vmem>>, vector<1x1024xf32>
    %get3A_33 = vector.shape_cast %get3A_32 : vector<1x1024xf32> to vector<1024xf32>
    %broadcast_in_dim3A_34 = vector.shape_cast %get3A_33 : vector<1024xf32> to vector<1x1024xf32>
    %add3A_35 = vector.broadcast %broadcast_in_dim3A_34 : vector<1x1024xf32> to vector<256x1024xf32>
    %add3A_36 = arith.addf %dot_general3A_29, %add3A_35 : vector<256x1024xf32>
    %convert_element_type3A_37 = arith.truncf %add3A_36 : vector<256x1024xf32> to vector<256x1024xbf16>
    %swap3A_38 = arith.constant 0 : index
    %swap3A_39 = arith.constant 0 : index
    %swap3A_40 = arith.constant 0 : index
    %swap3A_41 = vector.load %arg12[%swap3A_38, %swap3A_39, %swap3A_40] : memref<1x256x1024xbf16, #tpu.memory_space<vmem>>, vector<1x256x1024xbf16>
    %swap3A_42 = vector.shape_cast %swap3A_41 : vector<1x256x1024xbf16> to vector<256x1024xbf16>
    %swap3A_43 = vector.shape_cast %convert_element_type3A_37 : vector<256x1024xbf16> to vector<1x256x1024xbf16>
    tpu.vector_store %arg12[%swap3A_38, %swap3A_39, %swap3A_40], %swap3A_43 {strides = array<i32>} : memref<1x256x1024xbf16, #tpu.memory_space<vmem>>, vector<1x256x1024xbf16>,
    %get3A_44 = arith.constant 0 : index
    %get3A_45 = arith.constant 0 : index
    %get3A_46 = vector.load %arg7[%get3A_44, %get3A_45] : memref<1024x1024xbf16, #tpu.memory_space<vmem>>, vector<1024x1024xbf16>
    %dot_general3A_47 = arith.constant dense<0.000000e+00> : vector<256x1024xf32>
    %dot_general3A_48 = tpu.matmul %convert_element_type3A, %get3A_46, %dot_general3A_47 {dimension_numbers = #tpu.dot_dimension_numbers<[1], [0], [0], [1], [0, 0, 1, 1], [], []>, transpose_lhs_hint = false} : vector<256x1024xbf16>, vector<1024x1024xbf16>, vector<256x1024xf32> -> vector<256x1024xf32>
    %get3A_49 = arith.constant 0 : index
    %get3A_50 = arith.constant 0 : index
    %get3A_51 = vector.load %arg8[%get3A_49, %get3A_50] : memref<1x1024xf32, #tpu.memory_space<vmem>>, vector<1x1024xf32>
    %get3A_52 = vector.shape_cast %get3A_51 : vector<1x1024xf32> to vector<1024xf32>
    %broadcast_in_dim3A_53 = vector.shape_cast %get3A_52 : vector<1024xf32> to vector<1x1024xf32>
    %add3A_54 = vector.broadcast %broadcast_in_dim3A_53 : vector<1x1024xf32> to vector<256x1024xf32>
    %add3A_55 = arith.addf %dot_general3A_48, %add3A_54 : vector<256x1024xf32>
    %convert_element_type3A_56 = arith.truncf %add3A_55 : vector<256x1024xf32> to vector<256x1024xbf16>
    %swap3A_57 = arith.constant 0 : index
    %swap3A_58 = arith.constant 0 : index
    %swap3A_59 = arith.constant 0 : index
    %swap3A_60 = vector.load %arg13[%swap3A_57, %swap3A_58, %swap3A_59] : memref<1x256x1024xbf16, #tpu.memory_space<vmem>>, vector<1x256x1024xbf16>
    %swap3A_61 = vector.shape_cast %swap3A_60 : vector<1x256x1024xbf16> to vector<256x1024xbf16>
    %swap3A_62 = vector.shape_cast %convert_element_type3A_56 : vector<256x1024xbf16> to vector<1x256x1024xbf16>
    tpu.vector_store %arg13[%swap3A_57, %swap3A_58, %swap3A_59], %swap3A_62 {strides = array<i32>} : memref<1x256x1024xbf16, #tpu.memory_space<vmem>>, vector<1x256x1024xbf16>,
    %get3A_63 = arith.constant 0 : index
    %get3A_64 = arith.constant 0 : index
    %get3A_65 = vector.load %arg9[%get3A_63, %get3A_64] : memref<1x1024xf32, #tpu.memory_space<vmem>>, vector<1x1024xf32>
    %dot_general3A_66 = arith.constant dense<0.000000e+00> : vector<1x256xf32>
    %dot_general3A_67 = tpu.matmul %get3A_65, %get3A_3, %dot_general3A_66 {dimension_numbers = #tpu.dot_dimension_numbers<[1], [1], [0], [0], [0, 0, 1, 0], [], []>, transpose_lhs_hint = false} : vector<1x1024xf32>, vector<256x1024xf32>, vector<1x256xf32> -> vector<1x256xf32>
    %get3A_68 = arith.constant 0 : index
    %get3A_69 = arith.constant 0 : index
    %get3A_70 = vector.load %arg10[%get3A_68, %get3A_69] : memref<1x1xf32, #tpu.memory_space<vmem>>, vector<1x1xf32>
    %add3A_71 = vector.broadcast %get3A_70 : vector<1x1xf32> to vector<1x256xf32>
    %add3A_72 = arith.addf %dot_general3A_67, %add3A_71 : vector<1x256xf32>
    %swap3A_73 = arith.constant 0 : index
    %swap3A_74 = arith.constant 0 : index
    %swap3A_75 = arith.constant 0 : index
    %swap3A_76 = vector.load %arg14[%swap3A_73, %swap3A_74, %swap3A_75] : memref<1x1x256xf32, #tpu.memory_space<vmem>>, vector<1x1x256xf32>
    %swap3A_77 = vector.shape_cast %swap3A_76 : vector<1x1x256xf32> to vector<1x256xf32>
    %swap3A_78 = vector.shape_cast %add3A_72 : vector<1x256xf32> to vector<1x1x256xf32>
    tpu.vector_store %arg14[%swap3A_73, %swap3A_74, %swap3A_75], %swap3A_78 {strides = array<i32>} : memref<1x1x256xf32, #tpu.memory_space<vmem>>, vector<1x1x256xf32>,
    return
  }
  func.func @transform_0(%arg0: i32, %arg1: i32) -> (i32, i32, i32) {
    %c0_i32 = arith.constant 0 : i32
    %c0_i32_0 = arith.constant 0 : i32
    return %arg0, %arg1, %c0_i32 : i32, i32, i32
  }
  func.func @transform_1(%arg0: i32, %arg1: i32) -> (i32, i32) {
    %c0_i32 = arith.constant 0 : i32
    %c0_i32_0 = arith.constant 0 : i32
    %c0_i32_1 = arith.constant 0 : i32
    return %c0_i32, %c0_i32_0 : i32, i32
  }
  func.func @transform_2(%arg0: i32, %arg1: i32) -> (i32, i32) {
    %c0_i32 = arith.constant 0 : i32
    %c0_i32_0 = arith.constant 0 : i32
    %c0_i32_1 = arith.constant 0 : i32
    return %c0_i32, %c0_i32_0 : i32, i32
  }
  func.func @transform_3(%arg0: i32, %arg1: i32) -> (i32, i32) {
    %c0_i32 = arith.constant 0 : i32
    %c0_i32_0 = arith.constant 0 : i32
    %c0_i32_1 = arith.constant 0 : i32
    return %c0_i32, %c0_i32_0 : i32, i32
  }
  func.func @transform_4(%arg0: i32, %arg1: i32) -> (i32, i32) {
    %c0_i32 = arith.constant 0 : i32
    %c0_i32_0 = arith.constant 0 : i32
    %c0_i32_1 = arith.constant 0 : i32
    return %c0_i32, %c0_i32_0 : i32, i32
  }
  func.func @transform_5(%arg0: i32, %arg1: i32) -> (i32, i32) {
    %c0_i32 = arith.constant 0 : i32
    %c0_i32_0 = arith.constant 0 : i32
    %c0_i32_1 = arith.constant 0 : i32
    return %c0_i32, %c0_i32_0 : i32, i32
  }
  func.func @transform_6(%arg0: i32, %arg1: i32) -> (i32, i32) {
    %c0_i32 = arith.constant 0 : i32
    %c0_i32_0 = arith.constant 0 : i32
    %c0_i32_1 = arith.constant 0 : i32
    return %c0_i32, %c0_i32_0 : i32, i32
  }
  func.func @transform_7(%arg0: i32, %arg1: i32) -> (i32, i32) {
    %c0_i32 = arith.constant 0 : i32
    %c0_i32_0 = arith.constant 0 : i32
    %c0_i32_1 = arith.constant 0 : i32
    return %c0_i32, %c0_i32_0 : i32, i32
  }
  func.func @transform_8(%arg0: i32, %arg1: i32) -> (i32, i32) {
    %c0_i32 = arith.constant 0 : i32
    %c0_i32_0 = arith.constant 0 : i32
    %c0_i32_1 = arith.constant 0 : i32
    return %c0_i32, %c0_i32_0 : i32, i32
  }
  func.func @transform_9(%arg0: i32, %arg1: i32) -> (i32, i32, i32) {
    %c0_i32 = arith.constant 0 : i32
    %c0_i32_0 = arith.constant 0 : i32
    return %arg0, %arg1, %c0_i32 : i32, i32, i32
  }
  func.func @transform_10(%arg0: i32, %arg1: i32) -> (i32, i32, i32) {
    %c0_i32 = arith.constant 0 : i32
    %c0_i32_0 = arith.constant 0 : i32
    return %arg0, %arg1, %c0_i32 : i32, i32, i32
  }
  func.func @transform_11(%arg0: i32, %arg1: i32) -> (i32, i32, i32) {
    %c0_i32 = arith.constant 0 : i32
    %c0_i32_0 = arith.constant 0 : i32
    return %arg0, %arg1, %c0_i32 : i32, i32, i32
  }
  func.func @transform_12(%arg0: i32, %arg1: i32) -> (i32, i32, i32) {
    %c0_i32 = arith.constant 0 : i32
    %c0_i32_0 = arith.constant 0 : i32
    return %arg0, %c0_i32, %arg1 : i32, i32, i32
  }
  func.func @transform_13(%arg0: i32, %arg1: i32) -> (i32, i32, i32) {
    %c0_i32 = arith.constant 0 : i32
    %c0_i32_0 = arith.constant 0 : i32
    return %arg0, %arg1, %c0_i32 : i32, i32, i32
  }
}

module attributes {stable_mosaic.version = 14 : i64} {
  func.func @_sel_topk_body(%arg0: memref<2x1x2048xf32, #tpu.memory_space<vmem>>, %arg1: memref<2x1x2048xi32, #tpu.memory_space<vmem>>) attributes {dimension_semantics = [], scalar_prefetch = 0 : i64, scratch_operands = 0 : i64, tpu.core_type = #tpu.core_type<tc>} {
    %get3A = arith.constant 0 : index
    %get3A_0 = arith.constant 0 : index
    %get3A_1 = arith.constant 0 : index
    %get3A_2 = vector.load %arg0[%get3A, %get3A_0, %get3A_1] : memref<2x1x2048xf32, #tpu.memory_space<vmem>>, vector<2x1x2048xf32>
    %get3A_3 = vector.shape_cast %get3A_2 : vector<2x1x2048xf32> to vector<2x2048xf32>
    %add3A = arith.constant 0.000000e+00 : f32
    %add3A_4 = vector.broadcast %add3A : f32 to vector<2x2048xf32>
    %add3A_5 = arith.addf %get3A_3, %add3A_4 : vector<2x2048xf32>
    %bitcast_convert_type3A = tpu.bitcast %add3A_5 : vector<2x2048xf32> -> vector<2x2048xi32>
    %shift_right_arithmetic3A = arith.constant 31 : i32
    %shift_right_arithmetic3A_6 = vector.broadcast %shift_right_arithmetic3A : i32 to vector<2x2048xi32>
    %shift_right_arithmetic3A_7 = arith.shrsi %bitcast_convert_type3A, %shift_right_arithmetic3A_6 : vector<2x2048xi32>
    %and3A = arith.constant 2147483647 : i32
    %and3A_8 = vector.broadcast %and3A : i32 to vector<2x2048xi32>
    %and3A_9 = arith.andi %shift_right_arithmetic3A_7, %and3A_8 : vector<2x2048xi32>
    %xor3A = arith.xori %bitcast_convert_type3A, %and3A_9 : vector<2x2048xi32>
    %reduce_min3A = arith.constant dense<2147483647> : vector<2xi32>
    %reduce_min3A_10 = vector.multi_reduction <minsi>, %xor3A, %reduce_min3A [1] : vector<2x2048xi32> to vector<2xi32>
    %broadcast_in_dim3A = vector.shape_cast %reduce_min3A_10 : vector<2xi32> to vector<2x1xi32>
    %reduce_max3A = arith.constant dense<-2147483648> : vector<2xi32>
    %reduce_max3A_11 = vector.multi_reduction <maxsi>, %xor3A, %reduce_max3A [1] : vector<2x2048xi32> to vector<2xi32>
    %broadcast_in_dim3A_12 = vector.shape_cast %reduce_max3A_11 : vector<2xi32> to vector<2x1xi32>
    %add3A_13 = arith.constant 1 : i32
    %add3A_14 = vector.broadcast %add3A_13 : i32 to vector<2x1xi32>
    %add3A_15 = arith.addi %broadcast_in_dim3A_12, %add3A_14 : vector<2x1xi32>
    %scan3A = arith.constant 0 : i32
    %scan3A_16 = arith.constant 32 : i32
    %scan3A_17 = arith.addi %scan3A, %scan3A_16 : i32
    %scan3A_18 = arith.constant 1 : i32
    %scan3A_19:2 = scf.for %scan3A_153 = %scan3A to %scan3A_17 step %scan3A_18 iter_args(%scan3A_154 = %broadcast_in_dim3A, %scan3A_155 = %add3A_15) -> (vector<2x1xi32>, vector<2x1xi32>)  : i32 {
      %and3A_156 = arith.andi %scan3A_154, %scan3A_155 : vector<2x1xi32>
      %xor3A_157 = arith.xori %scan3A_154, %scan3A_155 : vector<2x1xi32>
      %shift_right_arithmetic3A_158 = arith.constant 1 : i32
      %shift_right_arithmetic3A_159 = vector.broadcast %shift_right_arithmetic3A_158 : i32 to vector<2x1xi32>
      %shift_right_arithmetic3A_160 = arith.shrsi %xor3A_157, %shift_right_arithmetic3A_159 : vector<2x1xi32>
      %add3A_161 = arith.addi %and3A_156, %shift_right_arithmetic3A_160 : vector<2x1xi32>
      %ge3A = vector.broadcast %add3A_161 : vector<2x1xi32> to vector<2x2048xi32>
      %ge3A_162 = arith.cmpi sge, %xor3A, %ge3A : vector<2x2048xi32>
      %convert_element_type3A_163 = arith.extui %ge3A_162 : vector<2x2048xi1> to vector<2x2048xi32>
      %convert_element_type3A_164 = arith.sitofp %convert_element_type3A_163 : vector<2x2048xi32> to vector<2x2048xf32>
      %reduce_sum3A_165 = arith.constant dense<0.000000e+00> : vector<2xf32>
      %reduce_sum3A_166 = vector.multi_reduction <add>, %convert_element_type3A_164, %reduce_sum3A_165 [1] : vector<2x2048xf32> to vector<2xf32>
      %broadcast_in_dim3A_167 = vector.shape_cast %reduce_sum3A_166 : vector<2xf32> to vector<2x1xf32>
      %ge3A_168 = arith.constant 5.120000e+02 : f32
      %ge3A_169 = vector.broadcast %ge3A_168 : f32 to vector<2x1xf32>
      %ge3A_170 = arith.cmpf oge, %broadcast_in_dim3A_167, %ge3A_169 : vector<2x1xf32>
      %select_n3A_171 = arith.select %ge3A_170, %add3A_161, %scan3A_154 : vector<2x1xi1>, vector<2x1xi32>
      %select_n3A_172 = arith.select %ge3A_170, %scan3A_155, %add3A_161 : vector<2x1xi1>, vector<2x1xi32>
      scf.yield %select_n3A_171, %select_n3A_172 : vector<2x1xi32>, vector<2x1xi32>
    }
    %gt3A = vector.broadcast %scan3A_19#0 : vector<2x1xi32> to vector<2x2048xi32>
    %gt3A_20 = arith.cmpi sgt, %xor3A, %gt3A : vector<2x2048xi32>
    %eq3A = vector.broadcast %scan3A_19#0 : vector<2x1xi32> to vector<2x2048xi32>
    %eq3A_21 = arith.cmpi eq, %xor3A, %eq3A : vector<2x2048xi32>
    %convert_element_type3A = arith.extui %gt3A_20 : vector<2x2048xi1> to vector<2x2048xi32>
    %convert_element_type3A_22 = arith.sitofp %convert_element_type3A : vector<2x2048xi32> to vector<2x2048xf32>
    %reduce_sum3A = arith.constant dense<0.000000e+00> : vector<2xf32>
    %reduce_sum3A_23 = vector.multi_reduction <add>, %convert_element_type3A_22, %reduce_sum3A [1] : vector<2x2048xf32> to vector<2xf32>
    %broadcast_in_dim3A_24 = vector.shape_cast %reduce_sum3A_23 : vector<2xf32> to vector<2x1xf32>
    %sub3A = arith.constant 5.120000e+02 : f32
    %sub3A_25 = vector.broadcast %sub3A : f32 to vector<2x1xf32>
    %sub3A_26 = arith.subf %sub3A_25, %broadcast_in_dim3A_24 : vector<2x1xf32>
    %convert_element_type3A_27 = arith.extui %eq3A_21 : vector<2x2048xi1> to vector<2x2048xi32>
    %convert_element_type3A_28 = arith.sitofp %convert_element_type3A_27 : vector<2x2048xi32> to vector<2x2048xf32>
    %broadcast_in_dim3A_29 = arith.constant 0.000000e+00 : f32
    %broadcast_in_dim3A_30 = vector.broadcast %broadcast_in_dim3A_29 : f32 to vector<2x1xf32>
    %slice3A = vector.extract_strided_slice %convert_element_type3A_28 {offsets = [0, 0], sizes = [2, 2047], strides = [1, 1]} : vector<2x2048xf32> to vector<2x2047xf32>
    %concatenate3A = tpu.concatenate %broadcast_in_dim3A_30, %slice3A in 1 : vector<2x1xf32>, vector<2x2047xf32> -> vector<2x2048xf32>
    %add3A_31 = arith.addf %convert_element_type3A_28, %concatenate3A : vector<2x2048xf32>
    %broadcast_in_dim3A_32 = arith.constant 0.000000e+00 : f32
    %broadcast_in_dim3A_33 = vector.broadcast %broadcast_in_dim3A_32 : f32 to vector<2x2xf32>
    %slice3A_34 = vector.extract_strided_slice %add3A_31 {offsets = [0, 0], sizes = [2, 2046], strides = [1, 1]} : vector<2x2048xf32> to vector<2x2046xf32>
    %concatenate3A_35 = tpu.concatenate %broadcast_in_dim3A_33, %slice3A_34 in 1 : vector<2x2xf32>, vector<2x2046xf32> -> vector<2x2048xf32>
    %add3A_36 = arith.addf %add3A_31, %concatenate3A_35 : vector<2x2048xf32>
    %broadcast_in_dim3A_37 = arith.constant 0.000000e+00 : f32
    %broadcast_in_dim3A_38 = vector.broadcast %broadcast_in_dim3A_37 : f32 to vector<2x4xf32>
    %slice3A_39 = vector.extract_strided_slice %add3A_36 {offsets = [0, 0], sizes = [2, 2044], strides = [1, 1]} : vector<2x2048xf32> to vector<2x2044xf32>
    %concatenate3A_40 = tpu.concatenate %broadcast_in_dim3A_38, %slice3A_39 in 1 : vector<2x4xf32>, vector<2x2044xf32> -> vector<2x2048xf32>
    %add3A_41 = arith.addf %add3A_36, %concatenate3A_40 : vector<2x2048xf32>
    %broadcast_in_dim3A_42 = arith.constant 0.000000e+00 : f32
    %broadcast_in_dim3A_43 = vector.broadcast %broadcast_in_dim3A_42 : f32 to vector<2x8xf32>
    %slice3A_44 = vector.extract_strided_slice %add3A_41 {offsets = [0, 0], sizes = [2, 2040], strides = [1, 1]} : vector<2x2048xf32> to vector<2x2040xf32>
    %concatenate3A_45 = tpu.concatenate %broadcast_in_dim3A_43, %slice3A_44 in 1 : vector<2x8xf32>, vector<2x2040xf32> -> vector<2x2048xf32>
    %add3A_46 = arith.addf %add3A_41, %concatenate3A_45 : vector<2x2048xf32>
    %broadcast_in_dim3A_47 = arith.constant 0.000000e+00 : f32
    %broadcast_in_dim3A_48 = vector.broadcast %broadcast_in_dim3A_47 : f32 to vector<2x16xf32>
    %slice3A_49 = vector.extract_strided_slice %add3A_46 {offsets = [0, 0], sizes = [2, 2032], strides = [1, 1]} : vector<2x2048xf32> to vector<2x2032xf32>
    %concatenate3A_50 = tpu.concatenate %broadcast_in_dim3A_48, %slice3A_49 in 1 : vector<2x16xf32>, vector<2x2032xf32> -> vector<2x2048xf32>
    %add3A_51 = arith.addf %add3A_46, %concatenate3A_50 : vector<2x2048xf32>
    %broadcast_in_dim3A_52 = arith.constant 0.000000e+00 : f32
    %broadcast_in_dim3A_53 = vector.broadcast %broadcast_in_dim3A_52 : f32 to vector<2x32xf32>
    %slice3A_54 = vector.extract_strided_slice %add3A_51 {offsets = [0, 0], sizes = [2, 2016], strides = [1, 1]} : vector<2x2048xf32> to vector<2x2016xf32>
    %concatenate3A_55 = tpu.concatenate %broadcast_in_dim3A_53, %slice3A_54 in 1 : vector<2x32xf32>, vector<2x2016xf32> -> vector<2x2048xf32>
    %add3A_56 = arith.addf %add3A_51, %concatenate3A_55 : vector<2x2048xf32>
    %broadcast_in_dim3A_57 = arith.constant 0.000000e+00 : f32
    %broadcast_in_dim3A_58 = vector.broadcast %broadcast_in_dim3A_57 : f32 to vector<2x64xf32>
    %slice3A_59 = vector.extract_strided_slice %add3A_56 {offsets = [0, 0], sizes = [2, 1984], strides = [1, 1]} : vector<2x2048xf32> to vector<2x1984xf32>
    %concatenate3A_60 = tpu.concatenate %broadcast_in_dim3A_58, %slice3A_59 in 1 : vector<2x64xf32>, vector<2x1984xf32> -> vector<2x2048xf32>
    %add3A_61 = arith.addf %add3A_56, %concatenate3A_60 : vector<2x2048xf32>
    %broadcast_in_dim3A_62 = arith.constant 0.000000e+00 : f32
    %broadcast_in_dim3A_63 = vector.broadcast %broadcast_in_dim3A_62 : f32 to vector<2x128xf32>
    %slice3A_64 = vector.extract_strided_slice %add3A_61 {offsets = [0, 0], sizes = [2, 1920], strides = [1, 1]} : vector<2x2048xf32> to vector<2x1920xf32>
    %concatenate3A_65 = tpu.concatenate %broadcast_in_dim3A_63, %slice3A_64 in 1 : vector<2x128xf32>, vector<2x1920xf32> -> vector<2x2048xf32>
    %add3A_66 = arith.addf %add3A_61, %concatenate3A_65 : vector<2x2048xf32>
    %broadcast_in_dim3A_67 = arith.constant 0.000000e+00 : f32
    %broadcast_in_dim3A_68 = vector.broadcast %broadcast_in_dim3A_67 : f32 to vector<2x256xf32>
    %slice3A_69 = vector.extract_strided_slice %add3A_66 {offsets = [0, 0], sizes = [2, 1792], strides = [1, 1]} : vector<2x2048xf32> to vector<2x1792xf32>
    %concatenate3A_70 = tpu.concatenate %broadcast_in_dim3A_68, %slice3A_69 in 1 : vector<2x256xf32>, vector<2x1792xf32> -> vector<2x2048xf32>
    %add3A_71 = arith.addf %add3A_66, %concatenate3A_70 : vector<2x2048xf32>
    %broadcast_in_dim3A_72 = arith.constant 0.000000e+00 : f32
    %broadcast_in_dim3A_73 = vector.broadcast %broadcast_in_dim3A_72 : f32 to vector<2x512xf32>
    %slice3A_74 = vector.extract_strided_slice %add3A_71 {offsets = [0, 0], sizes = [2, 1536], strides = [1, 1]} : vector<2x2048xf32> to vector<2x1536xf32>
    %concatenate3A_75 = tpu.concatenate %broadcast_in_dim3A_73, %slice3A_74 in 1 : vector<2x512xf32>, vector<2x1536xf32> -> vector<2x2048xf32>
    %add3A_76 = arith.addf %add3A_71, %concatenate3A_75 : vector<2x2048xf32>
    %broadcast_in_dim3A_77 = arith.constant 0.000000e+00 : f32
    %broadcast_in_dim3A_78 = vector.broadcast %broadcast_in_dim3A_77 : f32 to vector<2x1024xf32>
    %slice3A_79 = vector.extract_strided_slice %add3A_76 {offsets = [0, 0], sizes = [2, 1024], strides = [1, 1]} : vector<2x2048xf32> to vector<2x1024xf32>
    %concatenate3A_80 = tpu.concatenate %broadcast_in_dim3A_78, %slice3A_79 in 1 : vector<2x1024xf32>, vector<2x1024xf32> -> vector<2x2048xf32>
    %add3A_81 = arith.addf %add3A_76, %concatenate3A_80 : vector<2x2048xf32>
    %sub3A_82 = arith.subf %add3A_81, %convert_element_type3A_28 : vector<2x2048xf32>
    %lt3A = vector.broadcast %sub3A_26 : vector<2x1xf32> to vector<2x2048xf32>
    %lt3A_83 = arith.cmpf olt, %sub3A_82, %lt3A : vector<2x2048xf32>
    %and3A_84 = arith.andi %eq3A_21, %lt3A_83 : vector<2x2048xi1>
    %or3A = arith.ori %gt3A_20, %and3A_84 : vector<2x2048xi1>
    %convert_element_type3A_85 = arith.extui %or3A : vector<2x2048xi1> to vector<2x2048xi32>
    %convert_element_type3A_86 = arith.sitofp %convert_element_type3A_85 : vector<2x2048xi32> to vector<2x2048xf32>
    %broadcast_in_dim3A_87 = arith.constant 0.000000e+00 : f32
    %broadcast_in_dim3A_88 = vector.broadcast %broadcast_in_dim3A_87 : f32 to vector<2x1xf32>
    %slice3A_89 = vector.extract_strided_slice %convert_element_type3A_86 {offsets = [0, 0], sizes = [2, 2047], strides = [1, 1]} : vector<2x2048xf32> to vector<2x2047xf32>
    %concatenate3A_90 = tpu.concatenate %broadcast_in_dim3A_88, %slice3A_89 in 1 : vector<2x1xf32>, vector<2x2047xf32> -> vector<2x2048xf32>
    %add3A_91 = arith.addf %convert_element_type3A_86, %concatenate3A_90 : vector<2x2048xf32>
    %broadcast_in_dim3A_92 = arith.constant 0.000000e+00 : f32
    %broadcast_in_dim3A_93 = vector.broadcast %broadcast_in_dim3A_92 : f32 to vector<2x2xf32>
    %slice3A_94 = vector.extract_strided_slice %add3A_91 {offsets = [0, 0], sizes = [2, 2046], strides = [1, 1]} : vector<2x2048xf32> to vector<2x2046xf32>
    %concatenate3A_95 = tpu.concatenate %broadcast_in_dim3A_93, %slice3A_94 in 1 : vector<2x2xf32>, vector<2x2046xf32> -> vector<2x2048xf32>
    %add3A_96 = arith.addf %add3A_91, %concatenate3A_95 : vector<2x2048xf32>
    %broadcast_in_dim3A_97 = arith.constant 0.000000e+00 : f32
    %broadcast_in_dim3A_98 = vector.broadcast %broadcast_in_dim3A_97 : f32 to vector<2x4xf32>
    %slice3A_99 = vector.extract_strided_slice %add3A_96 {offsets = [0, 0], sizes = [2, 2044], strides = [1, 1]} : vector<2x2048xf32> to vector<2x2044xf32>
    %concatenate3A_100 = tpu.concatenate %broadcast_in_dim3A_98, %slice3A_99 in 1 : vector<2x4xf32>, vector<2x2044xf32> -> vector<2x2048xf32>
    %add3A_101 = arith.addf %add3A_96, %concatenate3A_100 : vector<2x2048xf32>
    %broadcast_in_dim3A_102 = arith.constant 0.000000e+00 : f32
    %broadcast_in_dim3A_103 = vector.broadcast %broadcast_in_dim3A_102 : f32 to vector<2x8xf32>
    %slice3A_104 = vector.extract_strided_slice %add3A_101 {offsets = [0, 0], sizes = [2, 2040], strides = [1, 1]} : vector<2x2048xf32> to vector<2x2040xf32>
    %concatenate3A_105 = tpu.concatenate %broadcast_in_dim3A_103, %slice3A_104 in 1 : vector<2x8xf32>, vector<2x2040xf32> -> vector<2x2048xf32>
    %add3A_106 = arith.addf %add3A_101, %concatenate3A_105 : vector<2x2048xf32>
    %broadcast_in_dim3A_107 = arith.constant 0.000000e+00 : f32
    %broadcast_in_dim3A_108 = vector.broadcast %broadcast_in_dim3A_107 : f32 to vector<2x16xf32>
    %slice3A_109 = vector.extract_strided_slice %add3A_106 {offsets = [0, 0], sizes = [2, 2032], strides = [1, 1]} : vector<2x2048xf32> to vector<2x2032xf32>
    %concatenate3A_110 = tpu.concatenate %broadcast_in_dim3A_108, %slice3A_109 in 1 : vector<2x16xf32>, vector<2x2032xf32> -> vector<2x2048xf32>
    %add3A_111 = arith.addf %add3A_106, %concatenate3A_110 : vector<2x2048xf32>
    %broadcast_in_dim3A_112 = arith.constant 0.000000e+00 : f32
    %broadcast_in_dim3A_113 = vector.broadcast %broadcast_in_dim3A_112 : f32 to vector<2x32xf32>
    %slice3A_114 = vector.extract_strided_slice %add3A_111 {offsets = [0, 0], sizes = [2, 2016], strides = [1, 1]} : vector<2x2048xf32> to vector<2x2016xf32>
    %concatenate3A_115 = tpu.concatenate %broadcast_in_dim3A_113, %slice3A_114 in 1 : vector<2x32xf32>, vector<2x2016xf32> -> vector<2x2048xf32>
    %add3A_116 = arith.addf %add3A_111, %concatenate3A_115 : vector<2x2048xf32>
    %broadcast_in_dim3A_117 = arith.constant 0.000000e+00 : f32
    %broadcast_in_dim3A_118 = vector.broadcast %broadcast_in_dim3A_117 : f32 to vector<2x64xf32>
    %slice3A_119 = vector.extract_strided_slice %add3A_116 {offsets = [0, 0], sizes = [2, 1984], strides = [1, 1]} : vector<2x2048xf32> to vector<2x1984xf32>
    %concatenate3A_120 = tpu.concatenate %broadcast_in_dim3A_118, %slice3A_119 in 1 : vector<2x64xf32>, vector<2x1984xf32> -> vector<2x2048xf32>
    %add3A_121 = arith.addf %add3A_116, %concatenate3A_120 : vector<2x2048xf32>
    %broadcast_in_dim3A_122 = arith.constant 0.000000e+00 : f32
    %broadcast_in_dim3A_123 = vector.broadcast %broadcast_in_dim3A_122 : f32 to vector<2x128xf32>
    %slice3A_124 = vector.extract_strided_slice %add3A_121 {offsets = [0, 0], sizes = [2, 1920], strides = [1, 1]} : vector<2x2048xf32> to vector<2x1920xf32>
    %concatenate3A_125 = tpu.concatenate %broadcast_in_dim3A_123, %slice3A_124 in 1 : vector<2x128xf32>, vector<2x1920xf32> -> vector<2x2048xf32>
    %add3A_126 = arith.addf %add3A_121, %concatenate3A_125 : vector<2x2048xf32>
    %broadcast_in_dim3A_127 = arith.constant 0.000000e+00 : f32
    %broadcast_in_dim3A_128 = vector.broadcast %broadcast_in_dim3A_127 : f32 to vector<2x256xf32>
    %slice3A_129 = vector.extract_strided_slice %add3A_126 {offsets = [0, 0], sizes = [2, 1792], strides = [1, 1]} : vector<2x2048xf32> to vector<2x1792xf32>
    %concatenate3A_130 = tpu.concatenate %broadcast_in_dim3A_128, %slice3A_129 in 1 : vector<2x256xf32>, vector<2x1792xf32> -> vector<2x2048xf32>
    %add3A_131 = arith.addf %add3A_126, %concatenate3A_130 : vector<2x2048xf32>
    %broadcast_in_dim3A_132 = arith.constant 0.000000e+00 : f32
    %broadcast_in_dim3A_133 = vector.broadcast %broadcast_in_dim3A_132 : f32 to vector<2x512xf32>
    %slice3A_134 = vector.extract_strided_slice %add3A_131 {offsets = [0, 0], sizes = [2, 1536], strides = [1, 1]} : vector<2x2048xf32> to vector<2x1536xf32>
    %concatenate3A_135 = tpu.concatenate %broadcast_in_dim3A_133, %slice3A_134 in 1 : vector<2x512xf32>, vector<2x1536xf32> -> vector<2x2048xf32>
    %add3A_136 = arith.addf %add3A_131, %concatenate3A_135 : vector<2x2048xf32>
    %broadcast_in_dim3A_137 = arith.constant 0.000000e+00 : f32
    %broadcast_in_dim3A_138 = vector.broadcast %broadcast_in_dim3A_137 : f32 to vector<2x1024xf32>
    %slice3A_139 = vector.extract_strided_slice %add3A_136 {offsets = [0, 0], sizes = [2, 1024], strides = [1, 1]} : vector<2x2048xf32> to vector<2x1024xf32>
    %concatenate3A_140 = tpu.concatenate %broadcast_in_dim3A_138, %slice3A_139 in 1 : vector<2x1024xf32>, vector<2x1024xf32> -> vector<2x2048xf32>
    %add3A_141 = arith.addf %add3A_136, %concatenate3A_140 : vector<2x2048xf32>
    %sub3A_142 = arith.subf %add3A_141, %convert_element_type3A_86 : vector<2x2048xf32>
    %convert_element_type3A_143 = arith.fptosi %sub3A_142 : vector<2x2048xf32> to vector<2x2048xi32>
    %iota3A = tpu.iota {dimensions = array<i32: 0>} : vector<2x2048xi32>
    %mul3A = arith.constant 512 : i32
    %mul3A_144 = vector.broadcast %mul3A : i32 to vector<2x2048xi32>
    %mul3A_145 = arith.muli %iota3A, %mul3A_144 : vector<2x2048xi32>
    %add3A_146 = arith.addi %convert_element_type3A_143, %mul3A_145 : vector<2x2048xi32>
    %jit3A = arith.constant 1024 : i32
    %broadcast_in_dim3A_147 = vector.broadcast %jit3A : i32 to vector<2x2048xi32>
    %select_n3A = arith.select %or3A, %add3A_146, %broadcast_in_dim3A_147 : vector<2x2048xi1>, vector<2x2048xi32>
    %swap3A = arith.constant 0 : index
    %swap3A_148 = arith.constant 0 : index
    %swap3A_149 = arith.constant 0 : index
    %swap3A_150 = vector.load %arg1[%swap3A, %swap3A_148, %swap3A_149] : memref<2x1x2048xi32, #tpu.memory_space<vmem>>, vector<2x1x2048xi32>
    %swap3A_151 = vector.shape_cast %swap3A_150 : vector<2x1x2048xi32> to vector<2x2048xi32>
    %swap3A_152 = vector.shape_cast %select_n3A : vector<2x2048xi32> to vector<2x1x2048xi32>
    tpu.vector_store %arg1[%swap3A, %swap3A_148, %swap3A_149], %swap3A_152 {strides = array<i32>} : memref<2x1x2048xi32, #tpu.memory_space<vmem>>, vector<2x1x2048xi32>,
    return
  }
}

module attributes {stable_mosaic.version = 14 : i64} {
  func.func @_comp_branch_body(%arg0: i32, %arg1: memref<1x512x4096xbf16, #tpu.memory_space<vmem>>, %arg2: memref<4096x1024xbf16, #tpu.memory_space<vmem>>, %arg3: memref<1x1024xf32, #tpu.memory_space<vmem>>, %arg4: memref<1024x1024xbf16, #tpu.memory_space<vmem>>, %arg5: memref<1x1024xf32, #tpu.memory_space<vmem>>, %arg6: memref<1024x1024xbf16, #tpu.memory_space<vmem>>, %arg7: memref<1x1024xf32, #tpu.memory_space<vmem>>, %arg8: memref<1024x1024xbf16, #tpu.memory_space<vmem>>, %arg9: memref<1x1024xf32, #tpu.memory_space<vmem>>, %arg10: memref<1x512x1024xbf16, #tpu.memory_space<vmem>>) attributes {dimension_semantics = [#tpu.dimension_semantics<parallel>], iteration_bounds = array<i64: 2>, scalar_prefetch = 0 : i64, scratch_operands = 0 : i64, tpu.core_type = #tpu.core_type<tc>, window_params = [{transform_indices = @transform_0, window_bounds = array<i64: 1, 512, 4096>}, {pipeline_mode = #tpu.pipeline_mode<synchronous>, transform_indices = @transform_1, window_bounds = array<i64: 4096, 1024>}, {pipeline_mode = #tpu.pipeline_mode<synchronous>, transform_indices = @transform_2, window_bounds = array<i64: 1, 1024>}, {pipeline_mode = #tpu.pipeline_mode<synchronous>, transform_indices = @transform_3, window_bounds = array<i64: 1024, 1024>}, {pipeline_mode = #tpu.pipeline_mode<synchronous>, transform_indices = @transform_4, window_bounds = array<i64: 1, 1024>}, {pipeline_mode = #tpu.pipeline_mode<synchronous>, transform_indices = @transform_5, window_bounds = array<i64: 1024, 1024>}, {pipeline_mode = #tpu.pipeline_mode<synchronous>, transform_indices = @transform_6, window_bounds = array<i64: 1, 1024>}, {pipeline_mode = #tpu.pipeline_mode<synchronous>, transform_indices = @transform_7, window_bounds = array<i64: 1024, 1024>}, {pipeline_mode = #tpu.pipeline_mode<synchronous>, transform_indices = @transform_8, window_bounds = array<i64: 1, 1024>}, {transform_indices = @transform_9, window_bounds = array<i64: 1, 512, 1024>}]} {
    %get3A = arith.constant 0 : index
    %get3A_0 = arith.constant 0 : index
    %get3A_1 = arith.constant 0 : index
    %get3A_2 = vector.load %arg1[%get3A, %get3A_0, %get3A_1] : memref<1x512x4096xbf16, #tpu.memory_space<vmem>>, vector<1x512x4096xbf16>
    %get3A_3 = vector.shape_cast %get3A_2 : vector<1x512x4096xbf16> to vector<512x4096xbf16>
    %get3A_4 = arith.constant 0 : index
    %get3A_5 = arith.constant 0 : index
    %get3A_6 = vector.load %arg2[%get3A_4, %get3A_5] : memref<4096x1024xbf16, #tpu.memory_space<vmem>>, vector<4096x1024xbf16>
    %dot_general3A = arith.constant dense<0.000000e+00> : vector<512x1024xf32>
    %dot_general3A_7 = tpu.matmul %get3A_3, %get3A_6, %dot_general3A {dimension_numbers = #tpu.dot_dimension_numbers<[1], [0], [0], [1], [0, 0, 1, 1], [], []>, transpose_lhs_hint = false} : vector<512x4096xbf16>, vector<4096x1024xbf16>, vector<512x1024xf32> -> vector<512x1024xf32>
    %get3A_8 = arith.constant 0 : index
    %get3A_9 = arith.constant 0 : index
    %get3A_10 = vector.load %arg3[%get3A_8, %get3A_9] : memref<1x1024xf32, #tpu.memory_space<vmem>>, vector<1x1024xf32>
    %get3A_11 = vector.shape_cast %get3A_10 : vector<1x1024xf32> to vector<1024xf32>
    %broadcast_in_dim3A = vector.shape_cast %get3A_11 : vector<1024xf32> to vector<1x1024xf32>
    %add3A = vector.broadcast %broadcast_in_dim3A : vector<1x1024xf32> to vector<512x1024xf32>
    %add3A_12 = arith.addf %dot_general3A_7, %add3A : vector<512x1024xf32>
    %convert_element_type3A = arith.truncf %add3A_12 : vector<512x1024xf32> to vector<512x1024xbf16>
    %get3A_13 = arith.constant 0 : index
    %get3A_14 = arith.constant 0 : index
    %get3A_15 = vector.load %arg4[%get3A_13, %get3A_14] : memref<1024x1024xbf16, #tpu.memory_space<vmem>>, vector<1024x1024xbf16>
    %dot_general3A_16 = arith.constant dense<0.000000e+00> : vector<512x1024xf32>
    %dot_general3A_17 = tpu.matmul %convert_element_type3A, %get3A_15, %dot_general3A_16 {dimension_numbers = #tpu.dot_dimension_numbers<[1], [0], [0], [1], [0, 0, 1, 1], [], []>, transpose_lhs_hint = false} : vector<512x1024xbf16>, vector<1024x1024xbf16>, vector<512x1024xf32> -> vector<512x1024xf32>
    %get3A_18 = arith.constant 0 : index
    %get3A_19 = arith.constant 0 : index
    %get3A_20 = vector.load %arg5[%get3A_18, %get3A_19] : memref<1x1024xf32, #tpu.memory_space<vmem>>, vector<1x1024xf32>
    %get3A_21 = vector.shape_cast %get3A_20 : vector<1x1024xf32> to vector<1024xf32>
    %broadcast_in_dim3A_22 = vector.shape_cast %get3A_21 : vector<1024xf32> to vector<1x1024xf32>
    %add3A_23 = vector.broadcast %broadcast_in_dim3A_22 : vector<1x1024xf32> to vector<512x1024xf32>
    %add3A_24 = arith.addf %dot_general3A_17, %add3A_23 : vector<512x1024xf32>
    %get3A_25 = arith.constant 0 : index
    %get3A_26 = arith.constant 0 : index
    %get3A_27 = vector.load %arg6[%get3A_25, %get3A_26] : memref<1024x1024xbf16, #tpu.memory_space<vmem>>, vector<1024x1024xbf16>
    %dot_general3A_28 = arith.constant dense<0.000000e+00> : vector<512x1024xf32>
    %dot_general3A_29 = tpu.matmul %convert_element_type3A, %get3A_27, %dot_general3A_28 {dimension_numbers = #tpu.dot_dimension_numbers<[1], [0], [0], [1], [0, 0, 1, 1], [], []>, transpose_lhs_hint = false} : vector<512x1024xbf16>, vector<1024x1024xbf16>, vector<512x1024xf32> -> vector<512x1024xf32>
    %get3A_30 = arith.constant 0 : index
    %get3A_31 = arith.constant 0 : index
    %get3A_32 = vector.load %arg7[%get3A_30, %get3A_31] : memref<1x1024xf32, #tpu.memory_space<vmem>>, vector<1x1024xf32>
    %get3A_33 = vector.shape_cast %get3A_32 : vector<1x1024xf32> to vector<1024xf32>
    %broadcast_in_dim3A_34 = vector.shape_cast %get3A_33 : vector<1024xf32> to vector<1x1024xf32>
    %add3A_35 = vector.broadcast %broadcast_in_dim3A_34 : vector<1x1024xf32> to vector<512x1024xf32>
    %add3A_36 = arith.addf %dot_general3A_29, %add3A_35 : vector<512x1024xf32>
    %get3A_37 = arith.constant 0 : index
    %get3A_38 = arith.constant 0 : index
    %get3A_39 = vector.load %arg8[%get3A_37, %get3A_38] : memref<1024x1024xbf16, #tpu.memory_space<vmem>>, vector<1024x1024xbf16>
    %dot_general3A_40 = arith.constant dense<0.000000e+00> : vector<512x1024xf32>
    %dot_general3A_41 = tpu.matmul %convert_element_type3A, %get3A_39, %dot_general3A_40 {dimension_numbers = #tpu.dot_dimension_numbers<[1], [0], [0], [1], [0, 0, 1, 1], [], []>, transpose_lhs_hint = false} : vector<512x1024xbf16>, vector<1024x1024xbf16>, vector<512x1024xf32> -> vector<512x1024xf32>
    %get3A_42 = arith.constant 0 : index
    %get3A_43 = arith.constant 0 : index
    %get3A_44 = vector.load %arg9[%get3A_42, %get3A_43] : memref<1x1024xf32, #tpu.memory_space<vmem>>, vector<1x1024xf32>
    %get3A_45 = vector.shape_cast %get3A_44 : vector<1x1024xf32> to vector<1024xf32>
    %broadcast_in_dim3A_46 = vector.shape_cast %get3A_45 : vector<1024xf32> to vector<1x1024xf32>
    %add3A_47 = vector.broadcast %broadcast_in_dim3A_46 : vector<1x1024xf32> to vector<512x1024xf32>
    %add3A_48 = arith.addf %dot_general3A_41, %add3A_47 : vector<512x1024xf32>
    %transpose3A = tpu.transpose %add3A_36, [1, 0] : vector<512x1024xf32> -> vector<1024x512xf32>
    %dot_general3A_49 = arith.constant dense<0.000000e+00> : vector<512x512xf32>
    %dot_general3A_50 = tpu.matmul %add3A_24, %transpose3A, %dot_general3A_49 {dimension_numbers = #tpu.dot_dimension_numbers<[1], [0], [0], [1], [0, 0, 1, 1], [], []>, transpose_lhs_hint = false} : vector<512x1024xf32>, vector<1024x512xf32>, vector<512x512xf32> -> vector<512x512xf32>
    %mul3A = arith.constant 1.250000e-01 : f32
    %mul3A_51 = vector.broadcast %mul3A : f32 to vector<512x512xf32>
    %mul3A_52 = arith.mulf %dot_general3A_50, %mul3A_51 : vector<512x512xf32>
    %reduce_max3A = arith.constant dense<0xFF800000> : vector<512xf32>
    %reduce_max3A_53 = vector.multi_reduction <maximumf>, %mul3A_52, %reduce_max3A [1] : vector<512x512xf32> to vector<512xf32>
    %broadcast_in_dim3A_54 = vector.shape_cast %reduce_max3A_53 : vector<512xf32> to vector<512x1xf32>
    %sub3A = vector.broadcast %broadcast_in_dim3A_54 : vector<512x1xf32> to vector<512x512xf32>
    %sub3A_55 = arith.subf %mul3A_52, %sub3A : vector<512x512xf32>
    %exp3A = math.exp %sub3A_55 : vector<512x512xf32>
    %reduce_sum3A = arith.constant dense<0.000000e+00> : vector<512xf32>
    %reduce_sum3A_56 = vector.multi_reduction <add>, %exp3A, %reduce_sum3A [1] : vector<512x512xf32> to vector<512xf32>
    %broadcast_in_dim3A_57 = vector.shape_cast %reduce_sum3A_56 : vector<512xf32> to vector<512x1xf32>
    %div3A = vector.broadcast %broadcast_in_dim3A_57 : vector<512x1xf32> to vector<512x512xf32>
    %div3A_58 = arith.divf %exp3A, %div3A : vector<512x512xf32>
    %convert_element_type3A_59 = arith.truncf %div3A_58 : vector<512x512xf32> to vector<512x512xbf16>
    %convert_element_type3A_60 = arith.truncf %add3A_48 : vector<512x1024xf32> to vector<512x1024xbf16>
    %dot_general3A_61 = arith.constant dense<0.000000e+00> : vector<512x1024xf32>
    %dot_general3A_62 = tpu.matmul %convert_element_type3A_59, %convert_element_type3A_60, %dot_general3A_61 {dimension_numbers = #tpu.dot_dimension_numbers<[1], [0], [0], [1], [0, 0, 1, 1], [], []>, transpose_lhs_hint = false} : vector<512x512xbf16>, vector<512x1024xbf16>, vector<512x1024xf32> -> vector<512x1024xf32>
    %convert_element_type3A_63 = arith.truncf %dot_general3A_62 : vector<512x1024xf32> to vector<512x1024xbf16>
    %swap3A = arith.constant 0 : index
    %swap3A_64 = arith.constant 0 : index
    %swap3A_65 = arith.constant 0 : index
    %swap3A_66 = vector.load %arg10[%swap3A, %swap3A_64, %swap3A_65] : memref<1x512x1024xbf16, #tpu.memory_space<vmem>>, vector<1x512x1024xbf16>
    %swap3A_67 = vector.shape_cast %swap3A_66 : vector<1x512x1024xbf16> to vector<512x1024xbf16>
    %swap3A_68 = vector.shape_cast %convert_element_type3A_63 : vector<512x1024xbf16> to vector<1x512x1024xbf16>
    tpu.vector_store %arg10[%swap3A, %swap3A_64, %swap3A_65], %swap3A_68 {strides = array<i32>} : memref<1x512x1024xbf16, #tpu.memory_space<vmem>>, vector<1x512x1024xbf16>,
    return
  }
  func.func @transform_0(%arg0: i32) -> (i32, i32, i32) {
    %c0_i32 = arith.constant 0 : i32
    %c0_i32_0 = arith.constant 0 : i32
    %c0_i32_1 = arith.constant 0 : i32
    return %arg0, %c0_i32, %c0_i32_0 : i32, i32, i32
  }
  func.func @transform_1(%arg0: i32) -> (i32, i32) {
    %c0_i32 = arith.constant 0 : i32
    %c0_i32_0 = arith.constant 0 : i32
    %c0_i32_1 = arith.constant 0 : i32
    return %c0_i32, %c0_i32_0 : i32, i32
  }
  func.func @transform_2(%arg0: i32) -> (i32, i32) {
    %c0_i32 = arith.constant 0 : i32
    %c0_i32_0 = arith.constant 0 : i32
    %c0_i32_1 = arith.constant 0 : i32
    return %c0_i32, %c0_i32_0 : i32, i32
  }
  func.func @transform_3(%arg0: i32) -> (i32, i32) {
    %c0_i32 = arith.constant 0 : i32
    %c0_i32_0 = arith.constant 0 : i32
    %c0_i32_1 = arith.constant 0 : i32
    return %c0_i32, %c0_i32_0 : i32, i32
  }
  func.func @transform_4(%arg0: i32) -> (i32, i32) {
    %c0_i32 = arith.constant 0 : i32
    %c0_i32_0 = arith.constant 0 : i32
    %c0_i32_1 = arith.constant 0 : i32
    return %c0_i32, %c0_i32_0 : i32, i32
  }
  func.func @transform_5(%arg0: i32) -> (i32, i32) {
    %c0_i32 = arith.constant 0 : i32
    %c0_i32_0 = arith.constant 0 : i32
    %c0_i32_1 = arith.constant 0 : i32
    return %c0_i32, %c0_i32_0 : i32, i32
  }
  func.func @transform_6(%arg0: i32) -> (i32, i32) {
    %c0_i32 = arith.constant 0 : i32
    %c0_i32_0 = arith.constant 0 : i32
    %c0_i32_1 = arith.constant 0 : i32
    return %c0_i32, %c0_i32_0 : i32, i32
  }
  func.func @transform_7(%arg0: i32) -> (i32, i32) {
    %c0_i32 = arith.constant 0 : i32
    %c0_i32_0 = arith.constant 0 : i32
    %c0_i32_1 = arith.constant 0 : i32
    return %c0_i32, %c0_i32_0 : i32, i32
  }
  func.func @transform_8(%arg0: i32) -> (i32, i32) {
    %c0_i32 = arith.constant 0 : i32
    %c0_i32_0 = arith.constant 0 : i32
    %c0_i32_1 = arith.constant 0 : i32
    return %c0_i32, %c0_i32_0 : i32, i32
  }
  func.func @transform_9(%arg0: i32) -> (i32, i32, i32) {
    %c0_i32 = arith.constant 0 : i32
    %c0_i32_0 = arith.constant 0 : i32
    %c0_i32_1 = arith.constant 0 : i32
    return %arg0, %c0_i32, %c0_i32_0 : i32, i32, i32
  }
}

module attributes {stable_mosaic.version = 14 : i64} {
  func.func @_sel_attn_body(%arg0: i32, %arg1: memref<1x512x1024xbf16, #tpu.memory_space<vmem>>, %arg2: memref<1024x1024xbf16, #tpu.memory_space<vmem>>, %arg3: memref<1x1024xf32, #tpu.memory_space<vmem>>, %arg4: memref<1024x1024xbf16, #tpu.memory_space<vmem>>, %arg5: memref<1x1024xf32, #tpu.memory_space<vmem>>, %arg6: memref<1024x1024xbf16, #tpu.memory_space<vmem>>, %arg7: memref<1x1024xf32, #tpu.memory_space<vmem>>, %arg8: memref<1x512x1024xbf16, #tpu.memory_space<vmem>>) attributes {dimension_semantics = [#tpu.dimension_semantics<parallel>], iteration_bounds = array<i64: 2>, scalar_prefetch = 0 : i64, scratch_operands = 0 : i64, tpu.core_type = #tpu.core_type<tc>, window_params = [{transform_indices = @transform_0, window_bounds = array<i64: 1, 512, 1024>}, {pipeline_mode = #tpu.pipeline_mode<synchronous>, transform_indices = @transform_1, window_bounds = array<i64: 1024, 1024>}, {pipeline_mode = #tpu.pipeline_mode<synchronous>, transform_indices = @transform_2, window_bounds = array<i64: 1, 1024>}, {pipeline_mode = #tpu.pipeline_mode<synchronous>, transform_indices = @transform_3, window_bounds = array<i64: 1024, 1024>}, {pipeline_mode = #tpu.pipeline_mode<synchronous>, transform_indices = @transform_4, window_bounds = array<i64: 1, 1024>}, {pipeline_mode = #tpu.pipeline_mode<synchronous>, transform_indices = @transform_5, window_bounds = array<i64: 1024, 1024>}, {pipeline_mode = #tpu.pipeline_mode<synchronous>, transform_indices = @transform_6, window_bounds = array<i64: 1, 1024>}, {transform_indices = @transform_7, window_bounds = array<i64: 1, 512, 1024>}]} {
    %get3A = arith.constant 0 : index
    %get3A_0 = arith.constant 0 : index
    %get3A_1 = arith.constant 0 : index
    %get3A_2 = vector.load %arg1[%get3A, %get3A_0, %get3A_1] : memref<1x512x1024xbf16, #tpu.memory_space<vmem>>, vector<1x512x1024xbf16>
    %get3A_3 = vector.shape_cast %get3A_2 : vector<1x512x1024xbf16> to vector<512x1024xbf16>
    %get3A_4 = arith.constant 0 : index
    %get3A_5 = arith.constant 0 : index
    %get3A_6 = vector.load %arg2[%get3A_4, %get3A_5] : memref<1024x1024xbf16, #tpu.memory_space<vmem>>, vector<1024x1024xbf16>
    %dot_general3A = arith.constant dense<0.000000e+00> : vector<512x1024xf32>
    %dot_general3A_7 = tpu.matmul %get3A_3, %get3A_6, %dot_general3A {dimension_numbers = #tpu.dot_dimension_numbers<[1], [0], [0], [1], [0, 0, 1, 1], [], []>, transpose_lhs_hint = false} : vector<512x1024xbf16>, vector<1024x1024xbf16>, vector<512x1024xf32> -> vector<512x1024xf32>
    %get3A_8 = arith.constant 0 : index
    %get3A_9 = arith.constant 0 : index
    %get3A_10 = vector.load %arg3[%get3A_8, %get3A_9] : memref<1x1024xf32, #tpu.memory_space<vmem>>, vector<1x1024xf32>
    %get3A_11 = vector.shape_cast %get3A_10 : vector<1x1024xf32> to vector<1024xf32>
    %broadcast_in_dim3A = vector.shape_cast %get3A_11 : vector<1024xf32> to vector<1x1024xf32>
    %add3A = vector.broadcast %broadcast_in_dim3A : vector<1x1024xf32> to vector<512x1024xf32>
    %add3A_12 = arith.addf %dot_general3A_7, %add3A : vector<512x1024xf32>
    %get3A_13 = arith.constant 0 : index
    %get3A_14 = arith.constant 0 : index
    %get3A_15 = vector.load %arg4[%get3A_13, %get3A_14] : memref<1024x1024xbf16, #tpu.memory_space<vmem>>, vector<1024x1024xbf16>
    %dot_general3A_16 = arith.constant dense<0.000000e+00> : vector<512x1024xf32>
    %dot_general3A_17 = tpu.matmul %get3A_3, %get3A_15, %dot_general3A_16 {dimension_numbers = #tpu.dot_dimension_numbers<[1], [0], [0], [1], [0, 0, 1, 1], [], []>, transpose_lhs_hint = false} : vector<512x1024xbf16>, vector<1024x1024xbf16>, vector<512x1024xf32> -> vector<512x1024xf32>
    %get3A_18 = arith.constant 0 : index
    %get3A_19 = arith.constant 0 : index
    %get3A_20 = vector.load %arg5[%get3A_18, %get3A_19] : memref<1x1024xf32, #tpu.memory_space<vmem>>, vector<1x1024xf32>
    %get3A_21 = vector.shape_cast %get3A_20 : vector<1x1024xf32> to vector<1024xf32>
    %broadcast_in_dim3A_22 = vector.shape_cast %get3A_21 : vector<1024xf32> to vector<1x1024xf32>
    %add3A_23 = vector.broadcast %broadcast_in_dim3A_22 : vector<1x1024xf32> to vector<512x1024xf32>
    %add3A_24 = arith.addf %dot_general3A_17, %add3A_23 : vector<512x1024xf32>
    %get3A_25 = arith.constant 0 : index
    %get3A_26 = arith.constant 0 : index
    %get3A_27 = vector.load %arg6[%get3A_25, %get3A_26] : memref<1024x1024xbf16, #tpu.memory_space<vmem>>, vector<1024x1024xbf16>
    %dot_general3A_28 = arith.constant dense<0.000000e+00> : vector<512x1024xf32>
    %dot_general3A_29 = tpu.matmul %get3A_3, %get3A_27, %dot_general3A_28 {dimension_numbers = #tpu.dot_dimension_numbers<[1], [0], [0], [1], [0, 0, 1, 1], [], []>, transpose_lhs_hint = false} : vector<512x1024xbf16>, vector<1024x1024xbf16>, vector<512x1024xf32> -> vector<512x1024xf32>
    %get3A_30 = arith.constant 0 : index
    %get3A_31 = arith.constant 0 : index
    %get3A_32 = vector.load %arg7[%get3A_30, %get3A_31] : memref<1x1024xf32, #tpu.memory_space<vmem>>, vector<1x1024xf32>
    %get3A_33 = vector.shape_cast %get3A_32 : vector<1x1024xf32> to vector<1024xf32>
    %broadcast_in_dim3A_34 = vector.shape_cast %get3A_33 : vector<1024xf32> to vector<1x1024xf32>
    %add3A_35 = vector.broadcast %broadcast_in_dim3A_34 : vector<1x1024xf32> to vector<512x1024xf32>
    %add3A_36 = arith.addf %dot_general3A_29, %add3A_35 : vector<512x1024xf32>
    %convert_element_type3A = arith.truncf %add3A_12 : vector<512x1024xf32> to vector<512x1024xbf16>
    %convert_element_type3A_37 = arith.truncf %add3A_24 : vector<512x1024xf32> to vector<512x1024xbf16>
    %transpose3A = tpu.transpose %convert_element_type3A_37, [1, 0] : vector<512x1024xbf16> -> vector<1024x512xbf16>
    %dot_general3A_38 = arith.constant dense<0.000000e+00> : vector<512x512xf32>
    %dot_general3A_39 = tpu.matmul %convert_element_type3A, %transpose3A, %dot_general3A_38 {dimension_numbers = #tpu.dot_dimension_numbers<[1], [0], [0], [1], [0, 0, 1, 1], [], []>, transpose_lhs_hint = false} : vector<512x1024xbf16>, vector<1024x512xbf16>, vector<512x512xf32> -> vector<512x512xf32>
    %mul3A = arith.constant 1.250000e-01 : f32
    %mul3A_40 = vector.broadcast %mul3A : f32 to vector<512x512xf32>
    %mul3A_41 = arith.mulf %dot_general3A_39, %mul3A_40 : vector<512x512xf32>
    %reduce_max3A = arith.constant dense<0xFF800000> : vector<512xf32>
    %reduce_max3A_42 = vector.multi_reduction <maximumf>, %mul3A_41, %reduce_max3A [1] : vector<512x512xf32> to vector<512xf32>
    %broadcast_in_dim3A_43 = vector.shape_cast %reduce_max3A_42 : vector<512xf32> to vector<512x1xf32>
    %sub3A = vector.broadcast %broadcast_in_dim3A_43 : vector<512x1xf32> to vector<512x512xf32>
    %sub3A_44 = arith.subf %mul3A_41, %sub3A : vector<512x512xf32>
    %exp3A = math.exp %sub3A_44 : vector<512x512xf32>
    %reduce_sum3A = arith.constant dense<0.000000e+00> : vector<512xf32>
    %reduce_sum3A_45 = vector.multi_reduction <add>, %exp3A, %reduce_sum3A [1] : vector<512x512xf32> to vector<512xf32>
    %broadcast_in_dim3A_46 = vector.shape_cast %reduce_sum3A_45 : vector<512xf32> to vector<512x1xf32>
    %div3A = vector.broadcast %broadcast_in_dim3A_46 : vector<512x1xf32> to vector<512x512xf32>
    %div3A_47 = arith.divf %exp3A, %div3A : vector<512x512xf32>
    %convert_element_type3A_48 = arith.truncf %div3A_47 : vector<512x512xf32> to vector<512x512xbf16>
    %convert_element_type3A_49 = arith.truncf %add3A_36 : vector<512x1024xf32> to vector<512x1024xbf16>
    %dot_general3A_50 = arith.constant dense<0.000000e+00> : vector<512x1024xf32>
    %dot_general3A_51 = tpu.matmul %convert_element_type3A_48, %convert_element_type3A_49, %dot_general3A_50 {dimension_numbers = #tpu.dot_dimension_numbers<[1], [0], [0], [1], [0, 0, 1, 1], [], []>, transpose_lhs_hint = false} : vector<512x512xbf16>, vector<512x1024xbf16>, vector<512x1024xf32> -> vector<512x1024xf32>
    %convert_element_type3A_52 = arith.truncf %dot_general3A_51 : vector<512x1024xf32> to vector<512x1024xbf16>
    %swap3A = arith.constant 0 : index
    %swap3A_53 = arith.constant 0 : index
    %swap3A_54 = arith.constant 0 : index
    %swap3A_55 = vector.load %arg8[%swap3A, %swap3A_53, %swap3A_54] : memref<1x512x1024xbf16, #tpu.memory_space<vmem>>, vector<1x512x1024xbf16>
    %swap3A_56 = vector.shape_cast %swap3A_55 : vector<1x512x1024xbf16> to vector<512x1024xbf16>
    %swap3A_57 = vector.shape_cast %convert_element_type3A_52 : vector<512x1024xbf16> to vector<1x512x1024xbf16>
    tpu.vector_store %arg8[%swap3A, %swap3A_53, %swap3A_54], %swap3A_57 {strides = array<i32>} : memref<1x512x1024xbf16, #tpu.memory_space<vmem>>, vector<1x512x1024xbf16>,
    return
  }
  func.func @transform_0(%arg0: i32) -> (i32, i32, i32) {
    %c0_i32 = arith.constant 0 : i32
    %c0_i32_0 = arith.constant 0 : i32
    %c0_i32_1 = arith.constant 0 : i32
    return %arg0, %c0_i32, %c0_i32_0 : i32, i32, i32
  }
  func.func @transform_1(%arg0: i32) -> (i32, i32) {
    %c0_i32 = arith.constant 0 : i32
    %c0_i32_0 = arith.constant 0 : i32
    %c0_i32_1 = arith.constant 0 : i32
    return %c0_i32, %c0_i32_0 : i32, i32
  }
  func.func @transform_2(%arg0: i32) -> (i32, i32) {
    %c0_i32 = arith.constant 0 : i32
    %c0_i32_0 = arith.constant 0 : i32
    %c0_i32_1 = arith.constant 0 : i32
    return %c0_i32, %c0_i32_0 : i32, i32
  }
  func.func @transform_3(%arg0: i32) -> (i32, i32) {
    %c0_i32 = arith.constant 0 : i32
    %c0_i32_0 = arith.constant 0 : i32
    %c0_i32_1 = arith.constant 0 : i32
    return %c0_i32, %c0_i32_0 : i32, i32
  }
  func.func @transform_4(%arg0: i32) -> (i32, i32) {
    %c0_i32 = arith.constant 0 : i32
    %c0_i32_0 = arith.constant 0 : i32
    %c0_i32_1 = arith.constant 0 : i32
    return %c0_i32, %c0_i32_0 : i32, i32
  }
  func.func @transform_5(%arg0: i32) -> (i32, i32) {
    %c0_i32 = arith.constant 0 : i32
    %c0_i32_0 = arith.constant 0 : i32
    %c0_i32_1 = arith.constant 0 : i32
    return %c0_i32, %c0_i32_0 : i32, i32
  }
  func.func @transform_6(%arg0: i32) -> (i32, i32) {
    %c0_i32 = arith.constant 0 : i32
    %c0_i32_0 = arith.constant 0 : i32
    %c0_i32_1 = arith.constant 0 : i32
    return %c0_i32, %c0_i32_0 : i32, i32
  }
  func.func @transform_7(%arg0: i32) -> (i32, i32, i32) {
    %c0_i32 = arith.constant 0 : i32
    %c0_i32_0 = arith.constant 0 : i32
    %c0_i32_1 = arith.constant 0 : i32
    return %arg0, %c0_i32, %c0_i32_0 : i32, i32, i32
  }
}

module attributes {stable_mosaic.version = 14 : i64} {
  func.func @_combine_body(%arg0: i32, %arg1: i32, %arg2: memref<1x128x1024xbf16, #tpu.memory_space<vmem>>, %arg3: memref<1x128x1024xbf16, #tpu.memory_space<vmem>>, %arg4: memref<1x128x1024xbf16, #tpu.memory_space<vmem>>, %arg5: memref<1x128x1024xbf16, #tpu.memory_space<vmem>>, %arg6: memref<1x128x1024xbf16, #tpu.memory_space<vmem>>, %arg7: memref<1x128x1024xbf16, #tpu.memory_space<vmem>>, %arg8: memref<1x256x1024xf32, #tpu.memory_space<vmem>>, %arg9: memref<1x256x1024xbf16, #tpu.memory_space<vmem>>, %arg10: memref<1x256x1024xbf16, #tpu.memory_space<vmem>>, %arg11: memref<1024x3xf32, #tpu.memory_space<vmem>>, %arg12: memref<1x3xf32, #tpu.memory_space<vmem>>, %arg13: memref<1024x1024xbf16, #tpu.memory_space<vmem>>, %arg14: memref<1024x1024xbf16, #tpu.memory_space<vmem>>, %arg15: memref<1024x1024xbf16, #tpu.memory_space<vmem>>, %arg16: memref<1x1024xf32, #tpu.memory_space<vmem>>, %arg17: memref<1x256x1024xf32, #tpu.memory_space<vmem>>, %arg18: memref<256x1024xf32, #tpu.memory_space<vmem>>) attributes {dimension_semantics = [#tpu.dimension_semantics<parallel>, #tpu.dimension_semantics<parallel>], iteration_bounds = array<i64: 2, 8>, scalar_prefetch = 0 : i64, scratch_operands = 1 : i64, tpu.core_type = #tpu.core_type<tc>, window_params = [{transform_indices = @transform_0, window_bounds = array<i64: 1, 128, 1024>}, {transform_indices = @transform_1, window_bounds = array<i64: 1, 128, 1024>}, {transform_indices = @transform_2, window_bounds = array<i64: 1, 128, 1024>}, {transform_indices = @transform_3, window_bounds = array<i64: 1, 128, 1024>}, {transform_indices = @transform_4, window_bounds = array<i64: 1, 128, 1024>}, {transform_indices = @transform_5, window_bounds = array<i64: 1, 128, 1024>}, {transform_indices = @transform_6, window_bounds = array<i64: 1, 256, 1024>}, {transform_indices = @transform_7, window_bounds = array<i64: 1, 256, 1024>}, {transform_indices = @transform_8, window_bounds = array<i64: 1, 256, 1024>}, {pipeline_mode = #tpu.pipeline_mode<synchronous>, transform_indices = @transform_9, window_bounds = array<i64: 1024, 3>}, {pipeline_mode = #tpu.pipeline_mode<synchronous>, transform_indices = @transform_10, window_bounds = array<i64: 1, 3>}, {pipeline_mode = #tpu.pipeline_mode<synchronous>, transform_indices = @transform_11, window_bounds = array<i64: 1024, 1024>}, {pipeline_mode = #tpu.pipeline_mode<synchronous>, transform_indices = @transform_12, window_bounds = array<i64: 1024, 1024>}, {pipeline_mode = #tpu.pipeline_mode<synchronous>, transform_indices = @transform_13, window_bounds = array<i64: 1024, 1024>}, {pipeline_mode = #tpu.pipeline_mode<synchronous>, transform_indices = @transform_14, window_bounds = array<i64: 1, 1024>}, {transform_indices = @transform_15, window_bounds = array<i64: 1, 256, 1024>}]} {
    %get3A = arith.constant 0 : index
    %get3A_0 = arith.constant 0 : index
    %get3A_1 = arith.constant 0 : index
    %get3A_2 = vector.load %arg8[%get3A, %get3A_0, %get3A_1] : memref<1x256x1024xf32, #tpu.memory_space<vmem>>, vector<1x256x1024xf32>
    %get3A_3 = vector.shape_cast %get3A_2 : vector<1x256x1024xf32> to vector<256x1024xf32>
    %get3A_4 = arith.constant 0 : index
    %get3A_5 = arith.constant 0 : index
    %get3A_6 = vector.load %arg11[%get3A_4, %get3A_5] : memref<1024x3xf32, #tpu.memory_space<vmem>>, vector<1024x3xf32>
    %dot_general3A = arith.constant dense<0.000000e+00> : vector<256x3xf32>
    %dot_general3A_7 = tpu.matmul %get3A_3, %get3A_6, %dot_general3A {dimension_numbers = #tpu.dot_dimension_numbers<[1], [0], [0], [1], [0, 0, 1, 1], [], []>, transpose_lhs_hint = false} : vector<256x1024xf32>, vector<1024x3xf32>, vector<256x3xf32> -> vector<256x3xf32>
    %get3A_8 = arith.constant 0 : index
    %get3A_9 = arith.constant 0 : index
    %get3A_10 = vector.load %arg12[%get3A_8, %get3A_9] : memref<1x3xf32, #tpu.memory_space<vmem>>, vector<1x3xf32>
    %get3A_11 = vector.shape_cast %get3A_10 : vector<1x3xf32> to vector<3xf32>
    %broadcast_in_dim3A = vector.shape_cast %get3A_11 : vector<3xf32> to vector<1x3xf32>
    %add3A = vector.broadcast %broadcast_in_dim3A : vector<1x3xf32> to vector<256x3xf32>
    %add3A_12 = arith.addf %dot_general3A_7, %add3A : vector<256x3xf32>
    %logistic3A = arith.negf %add3A_12 : vector<256x3xf32>
    %logistic3A_13 = math.exp %logistic3A : vector<256x3xf32>
    %logistic3A_14 = arith.constant 1.000000e+00 : f32
    %logistic3A_15 = vector.broadcast %logistic3A_14 : f32 to vector<256x3xf32>
    %logistic3A_16 = arith.addf %logistic3A_15, %logistic3A_13 : vector<256x3xf32>
    %logistic3A_17 = arith.divf %logistic3A_15, %logistic3A_16 : vector<256x3xf32>
    %reduce_sum3A = arith.constant dense<0.000000e+00> : vector<256xf32>
    %reduce_sum3A_18 = vector.multi_reduction <add>, %logistic3A_17, %reduce_sum3A [1] : vector<256x3xf32> to vector<256xf32>
    %broadcast_in_dim3A_19 = vector.shape_cast %reduce_sum3A_18 : vector<256xf32> to vector<256x1xf32>
    %add3A_20 = arith.constant 9.99999997E-7 : f32
    %add3A_21 = vector.broadcast %add3A_20 : f32 to vector<256x1xf32>
    %add3A_22 = arith.addf %broadcast_in_dim3A_19, %add3A_21 : vector<256x1xf32>
    %div3A = vector.broadcast %add3A_22 : vector<256x1xf32> to vector<256x3xf32>
    %div3A_23 = arith.divf %logistic3A_17, %div3A : vector<256x3xf32>
    %get3A_24 = arith.constant 0 : index
    %get3A_25 = arith.constant 0 : index
    %get3A_26 = arith.constant 0 : index
    %get3A_27 = vector.load %arg2[%get3A_24, %get3A_25, %get3A_26] : memref<1x128x1024xbf16, #tpu.memory_space<vmem>>, vector<1x128x1024xbf16>
    %get3A_28 = vector.shape_cast %get3A_27 : vector<1x128x1024xbf16> to vector<128x1024xbf16>
    %get3A_29 = arith.constant 0 : index
    %get3A_30 = arith.constant 0 : index
    %get3A_31 = arith.constant 0 : index
    %get3A_32 = vector.load %arg3[%get3A_29, %get3A_30, %get3A_31] : memref<1x128x1024xbf16, #tpu.memory_space<vmem>>, vector<1x128x1024xbf16>
    %get3A_33 = vector.shape_cast %get3A_32 : vector<1x128x1024xbf16> to vector<128x1024xbf16>
    %concatenate3A = tpu.concatenate %get3A_28, %get3A_33 in 0 : vector<128x1024xbf16>, vector<128x1024xbf16> -> vector<256x1024xbf16>
    %get3A_34 = arith.constant 0 : index
    %get3A_35 = arith.constant 0 : index
    %get3A_36 = arith.constant 0 : index
    %get3A_37 = vector.load %arg4[%get3A_34, %get3A_35, %get3A_36] : memref<1x128x1024xbf16, #tpu.memory_space<vmem>>, vector<1x128x1024xbf16>
    %get3A_38 = vector.shape_cast %get3A_37 : vector<1x128x1024xbf16> to vector<128x1024xbf16>
    %get3A_39 = arith.constant 0 : index
    %get3A_40 = arith.constant 0 : index
    %get3A_41 = arith.constant 0 : index
    %get3A_42 = vector.load %arg5[%get3A_39, %get3A_40, %get3A_41] : memref<1x128x1024xbf16, #tpu.memory_space<vmem>>, vector<1x128x1024xbf16>
    %get3A_43 = vector.shape_cast %get3A_42 : vector<1x128x1024xbf16> to vector<128x1024xbf16>
    %concatenate3A_44 = tpu.concatenate %get3A_38, %get3A_43 in 0 : vector<128x1024xbf16>, vector<128x1024xbf16> -> vector<256x1024xbf16>
    %get3A_45 = arith.constant 0 : index
    %get3A_46 = arith.constant 0 : index
    %get3A_47 = arith.constant 0 : index
    %get3A_48 = vector.load %arg6[%get3A_45, %get3A_46, %get3A_47] : memref<1x128x1024xbf16, #tpu.memory_space<vmem>>, vector<1x128x1024xbf16>
    %get3A_49 = vector.shape_cast %get3A_48 : vector<1x128x1024xbf16> to vector<128x1024xbf16>
    %get3A_50 = arith.constant 0 : index
    %get3A_51 = arith.constant 0 : index
    %get3A_52 = arith.constant 0 : index
    %get3A_53 = vector.load %arg7[%get3A_50, %get3A_51, %get3A_52] : memref<1x128x1024xbf16, #tpu.memory_space<vmem>>, vector<1x128x1024xbf16>
    %get3A_54 = vector.shape_cast %get3A_53 : vector<1x128x1024xbf16> to vector<128x1024xbf16>
    %concatenate3A_55 = tpu.concatenate %get3A_49, %get3A_54 in 0 : vector<128x1024xbf16>, vector<128x1024xbf16> -> vector<256x1024xbf16>
    %transpose3A = tpu.transpose %concatenate3A_44, [1, 0] : vector<256x1024xbf16> -> vector<1024x256xbf16>
    %dot_general3A_56 = arith.constant dense<0.000000e+00> : vector<256x256xf32>
    %dot_general3A_57 = tpu.matmul %concatenate3A, %transpose3A, %dot_general3A_56 {dimension_numbers = #tpu.dot_dimension_numbers<[1], [0], [0], [1], [0, 0, 1, 1], [], []>, transpose_lhs_hint = false} : vector<256x1024xbf16>, vector<1024x256xbf16>, vector<256x256xf32> -> vector<256x256xf32>
    %mul3A = arith.constant 1.250000e-01 : f32
    %mul3A_58 = vector.broadcast %mul3A : f32 to vector<256x256xf32>
    %mul3A_59 = arith.mulf %dot_general3A_57, %mul3A_58 : vector<256x256xf32>
    %reduce_max3A = arith.constant dense<0xFF800000> : vector<256xf32>
    %reduce_max3A_60 = vector.multi_reduction <maximumf>, %mul3A_59, %reduce_max3A [1] : vector<256x256xf32> to vector<256xf32>
    %broadcast_in_dim3A_61 = vector.shape_cast %reduce_max3A_60 : vector<256xf32> to vector<256x1xf32>
    %sub3A = vector.broadcast %broadcast_in_dim3A_61 : vector<256x1xf32> to vector<256x256xf32>
    %sub3A_62 = arith.subf %mul3A_59, %sub3A : vector<256x256xf32>
    %exp3A = math.exp %sub3A_62 : vector<256x256xf32>
    %reduce_sum3A_63 = arith.constant dense<0.000000e+00> : vector<256xf32>
    %reduce_sum3A_64 = vector.multi_reduction <add>, %exp3A, %reduce_sum3A_63 [1] : vector<256x256xf32> to vector<256xf32>
    %broadcast_in_dim3A_65 = vector.shape_cast %reduce_sum3A_64 : vector<256xf32> to vector<256x1xf32>
    %div3A_66 = vector.broadcast %broadcast_in_dim3A_65 : vector<256x1xf32> to vector<256x256xf32>
    %div3A_67 = arith.divf %exp3A, %div3A_66 : vector<256x256xf32>
    %convert_element_type3A = arith.truncf %div3A_67 : vector<256x256xf32> to vector<256x256xbf16>
    %dot_general3A_68 = arith.constant dense<0.000000e+00> : vector<256x1024xf32>
    %dot_general3A_69 = tpu.matmul %convert_element_type3A, %concatenate3A_55, %dot_general3A_68 {dimension_numbers = #tpu.dot_dimension_numbers<[1], [0], [0], [1], [0, 0, 1, 1], [], []>, transpose_lhs_hint = false} : vector<256x256xbf16>, vector<256x1024xbf16>, vector<256x1024xf32> -> vector<256x1024xf32>
    %slice3A = vector.extract_strided_slice %div3A_23 {offsets = [0, 2], sizes = [256, 1], strides = [1, 1]} : vector<256x3xf32> to vector<256x1xf32>
    %mul3A_70 = vector.broadcast %slice3A : vector<256x1xf32> to vector<256x1024xf32>
    %mul3A_71 = arith.mulf %dot_general3A_69, %mul3A_70 : vector<256x1024xf32>
    %convert_element_type3A_72 = arith.truncf %mul3A_71 : vector<256x1024xf32> to vector<256x1024xbf16>
    %get3A_73 = arith.constant 0 : index
    %get3A_74 = arith.constant 0 : index
    %get3A_75 = vector.load %arg15[%get3A_73, %get3A_74] : memref<1024x1024xbf16, #tpu.memory_space<vmem>>, vector<1024x1024xbf16>
    %dot_general3A_76 = arith.constant dense<0.000000e+00> : vector<256x1024xf32>
    %dot_general3A_77 = tpu.matmul %convert_element_type3A_72, %get3A_75, %dot_general3A_76 {dimension_numbers = #tpu.dot_dimension_numbers<[1], [0], [0], [1], [0, 0, 1, 1], [], []>, transpose_lhs_hint = false} : vector<256x1024xbf16>, vector<1024x1024xbf16>, vector<256x1024xf32> -> vector<256x1024xf32>
    %get3A_78 = arith.constant 0 : index
    %get3A_79 = arith.constant 0 : index
    %get3A_80 = vector.load %arg16[%get3A_78, %get3A_79] : memref<1x1024xf32, #tpu.memory_space<vmem>>, vector<1x1024xf32>
    %get3A_81 = vector.shape_cast %get3A_80 : vector<1x1024xf32> to vector<1024xf32>
    %broadcast_in_dim3A_82 = vector.shape_cast %get3A_81 : vector<1024xf32> to vector<1x1024xf32>
    %add3A_83 = vector.broadcast %broadcast_in_dim3A_82 : vector<1x1024xf32> to vector<256x1024xf32>
    %add3A_84 = arith.addf %dot_general3A_77, %add3A_83 : vector<256x1024xf32>
    %swap3A = arith.constant 0 : index
    %swap3A_85 = arith.constant 0 : index
    %swap3A_86 = vector.load %arg18[%swap3A, %swap3A_85] : memref<256x1024xf32, #tpu.memory_space<vmem>>, vector<256x1024xf32>
    tpu.vector_store %arg18[%swap3A, %swap3A_85], %add3A_84 {strides = array<i32>} : memref<256x1024xf32, #tpu.memory_space<vmem>>, vector<256x1024xf32>,
    %lt3A = arith.constant 2 : i32
    %lt3A_87 = arith.cmpi slt, %arg1, %lt3A : i32
    %convert_element_type3A_88 = arith.extui %lt3A_87 : i1 to i32
    %cond3A = arith.constant 0 : i32
    %cond3A_89 = arith.cmpi ne, %convert_element_type3A_88, %cond3A : i32
    scf.if %cond3A_89 {
      %get3A_127 = arith.constant 0 : index
      %get3A_128 = arith.constant 0 : index
      %get3A_129 = arith.constant 0 : index
      %get3A_130 = vector.load %arg9[%get3A_127, %get3A_128, %get3A_129] : memref<1x256x1024xbf16, #tpu.memory_space<vmem>>, vector<1x256x1024xbf16>
      %get3A_131 = vector.shape_cast %get3A_130 : vector<1x256x1024xbf16> to vector<256x1024xbf16>
      %convert_element_type3A_132 = arith.extf %get3A_131 : vector<256x1024xbf16> to vector<256x1024xf32>
      %slice3A_133 = vector.extract_strided_slice %div3A_23 {offsets = [0, 0], sizes = [256, 1], strides = [1, 1]} : vector<256x3xf32> to vector<256x1xf32>
      %mul3A_134 = vector.broadcast %slice3A_133 : vector<256x1xf32> to vector<256x1024xf32>
      %mul3A_135 = arith.mulf %convert_element_type3A_132, %mul3A_134 : vector<256x1024xf32>
      %convert_element_type3A_136 = arith.truncf %mul3A_135 : vector<256x1024xf32> to vector<256x1024xbf16>
      %get3A_137 = arith.constant 0 : index
      %get3A_138 = arith.constant 0 : index
      %get3A_139 = vector.load %arg13[%get3A_137, %get3A_138] : memref<1024x1024xbf16, #tpu.memory_space<vmem>>, vector<1024x1024xbf16>
      %dot_general3A_140 = arith.constant dense<0.000000e+00> : vector<256x1024xf32>
      %dot_general3A_141 = tpu.matmul %convert_element_type3A_136, %get3A_139, %dot_general3A_140 {dimension_numbers = #tpu.dot_dimension_numbers<[1], [0], [0], [1], [0, 0, 1, 1], [], []>, transpose_lhs_hint = false} : vector<256x1024xbf16>, vector<1024x1024xbf16>, vector<256x1024xf32> -> vector<256x1024xf32>
      %get3A_142 = arith.constant 0 : index
      %get3A_143 = arith.constant 0 : index
      %get3A_144 = arith.constant 0 : index
      %get3A_145 = vector.load %arg10[%get3A_142, %get3A_143, %get3A_144] : memref<1x256x1024xbf16, #tpu.memory_space<vmem>>, vector<1x256x1024xbf16>
      %get3A_146 = vector.shape_cast %get3A_145 : vector<1x256x1024xbf16> to vector<256x1024xbf16>
      %convert_element_type3A_147 = arith.extf %get3A_146 : vector<256x1024xbf16> to vector<256x1024xf32>
      %slice3A_148 = vector.extract_strided_slice %div3A_23 {offsets = [0, 1], sizes = [256, 1], strides = [1, 1]} : vector<256x3xf32> to vector<256x1xf32>
      %mul3A_149 = vector.broadcast %slice3A_148 : vector<256x1xf32> to vector<256x1024xf32>
      %mul3A_150 = arith.mulf %convert_element_type3A_147, %mul3A_149 : vector<256x1024xf32>
      %convert_element_type3A_151 = arith.truncf %mul3A_150 : vector<256x1024xf32> to vector<256x1024xbf16>
      %get3A_152 = arith.constant 0 : index
      %get3A_153 = arith.constant 0 : index
      %get3A_154 = vector.load %arg14[%get3A_152, %get3A_153] : memref<1024x1024xbf16, #tpu.memory_space<vmem>>, vector<1024x1024xbf16>
      %dot_general3A_155 = arith.constant dense<0.000000e+00> : vector<256x1024xf32>
      %dot_general3A_156 = tpu.matmul %convert_element_type3A_151, %get3A_154, %dot_general3A_155 {dimension_numbers = #tpu.dot_dimension_numbers<[1], [0], [0], [1], [0, 0, 1, 1], [], []>, transpose_lhs_hint = false} : vector<256x1024xbf16>, vector<1024x1024xbf16>, vector<256x1024xf32> -> vector<256x1024xf32>
      %add3A_157 = arith.addf %dot_general3A_141, %dot_general3A_156 : vector<256x1024xf32>
      %get3A_158 = arith.constant 0 : index
      %get3A_159 = arith.constant 0 : index
      %get3A_160 = vector.load %arg18[%get3A_158, %get3A_159] : memref<256x1024xf32, #tpu.memory_space<vmem>>, vector<256x1024xf32>
      %add3A_161 = arith.addf %get3A_160, %add3A_157 : vector<256x1024xf32>
      %swap3A_162 = arith.constant 0 : index
      %swap3A_163 = arith.constant 0 : index
      %swap3A_164 = vector.load %arg18[%swap3A_162, %swap3A_163] : memref<256x1024xf32, #tpu.memory_space<vmem>>, vector<256x1024xf32>
      tpu.vector_store %arg18[%swap3A_162, %swap3A_163], %add3A_161 {strides = array<i32>} : memref<256x1024xf32, #tpu.memory_space<vmem>>, vector<256x1024xf32>,
    } else {
    }
    %get3A_90 = arith.constant 0 : index
    %get3A_91 = arith.constant 0 : index
    %get3A_92 = vector.load %arg18[%get3A_90, %get3A_91] : memref<256x1024xf32, #tpu.memory_space<vmem>>, vector<256x1024xf32>
    %mul3A_93 = arith.constant 5.000000e-01 : f32
    %mul3A_94 = vector.broadcast %mul3A_93 : f32 to vector<256x1024xf32>
    %mul3A_95 = arith.mulf %get3A_92, %mul3A_94 : vector<256x1024xf32>
    %mul3A_96 = arith.constant 5.000000e-01 : f32
    %mul3A_97 = vector.broadcast %mul3A_96 : f32 to vector<256x1024xf32>
    %mul3A_98 = arith.mulf %get3A_3, %mul3A_97 : vector<256x1024xf32>
    %add3A_99 = arith.addf %mul3A_95, %mul3A_98 : vector<256x1024xf32>
    %reduce_sum3A_100 = arith.constant dense<0.000000e+00> : vector<256xf32>
    %reduce_sum3A_101 = vector.multi_reduction <add>, %add3A_99, %reduce_sum3A_100 [1] : vector<256x1024xf32> to vector<256xf32>
    %broadcast_in_dim3A_102 = vector.shape_cast %reduce_sum3A_101 : vector<256xf32> to vector<256x1xf32>
    %div3A_103 = arith.constant 1.024000e+03 : f32
    %div3A_104 = vector.broadcast %div3A_103 : f32 to vector<256x1xf32>
    %div3A_105 = arith.divf %broadcast_in_dim3A_102, %div3A_104 : vector<256x1xf32>
    %sub3A_106 = vector.broadcast %div3A_105 : vector<256x1xf32> to vector<256x1024xf32>
    %sub3A_107 = arith.subf %add3A_99, %sub3A_106 : vector<256x1024xf32>
    %integer_pow3A = arith.mulf %sub3A_107, %sub3A_107 : vector<256x1024xf32>
    %reduce_sum3A_108 = arith.constant dense<0.000000e+00> : vector<256xf32>
    %reduce_sum3A_109 = vector.multi_reduction <add>, %integer_pow3A, %reduce_sum3A_108 [1] : vector<256x1024xf32> to vector<256xf32>
    %broadcast_in_dim3A_110 = vector.shape_cast %reduce_sum3A_109 : vector<256xf32> to vector<256x1xf32>
    %div3A_111 = arith.constant 1.024000e+03 : f32
    %div3A_112 = vector.broadcast %div3A_111 : f32 to vector<256x1xf32>
    %div3A_113 = arith.divf %broadcast_in_dim3A_110, %div3A_112 : vector<256x1xf32>
    %sub3A_114 = vector.broadcast %div3A_105 : vector<256x1xf32> to vector<256x1024xf32>
    %sub3A_115 = arith.subf %add3A_99, %sub3A_114 : vector<256x1024xf32>
    %add3A_116 = arith.constant 9.99999997E-7 : f32
    %add3A_117 = vector.broadcast %add3A_116 : f32 to vector<256x1xf32>
    %add3A_118 = arith.addf %div3A_113, %add3A_117 : vector<256x1xf32>
    %sqrt3A = math.sqrt %add3A_118 : vector<256x1xf32>
    %div3A_119 = vector.broadcast %sqrt3A : vector<256x1xf32> to vector<256x1024xf32>
    %div3A_120 = arith.divf %sub3A_115, %div3A_119 : vector<256x1024xf32>
    %swap3A_121 = arith.constant 0 : index
    %swap3A_122 = arith.constant 0 : index
    %swap3A_123 = arith.constant 0 : index
    %swap3A_124 = vector.load %arg17[%swap3A_121, %swap3A_122, %swap3A_123] : memref<1x256x1024xf32, #tpu.memory_space<vmem>>, vector<1x256x1024xf32>
    %swap3A_125 = vector.shape_cast %swap3A_124 : vector<1x256x1024xf32> to vector<256x1024xf32>
    %swap3A_126 = vector.shape_cast %div3A_120 : vector<256x1024xf32> to vector<1x256x1024xf32>
    tpu.vector_store %arg17[%swap3A_121, %swap3A_122, %swap3A_123], %swap3A_126 {strides = array<i32>} : memref<1x256x1024xf32, #tpu.memory_space<vmem>>, vector<1x256x1024xf32>,
    return
  }
  func.func @transform_0(%arg0: i32, %arg1: i32) -> (i32, i32, i32) {
    %c0_i32 = arith.constant 0 : i32
    %c0_i32_0 = arith.constant 0 : i32
    return %arg0, %arg1, %c0_i32 : i32, i32, i32
  }
  func.func @transform_1(%arg0: i32, %arg1: i32) -> (i32, i32, i32) {
    %add3A = arith.constant 1 : i32
    %add3A_0 = arith.addi %arg1, %add3A : i32
    %c0_i32 = arith.constant 0 : i32
    %c0_i32_1 = arith.constant 0 : i32
    return %arg0, %add3A_0, %c0_i32 : i32, i32, i32
  }
  func.func @transform_2(%arg0: i32, %arg1: i32) -> (i32, i32, i32) {
    %c0_i32 = arith.constant 0 : i32
    %c0_i32_0 = arith.constant 0 : i32
    return %arg0, %arg1, %c0_i32 : i32, i32, i32
  }
  func.func @transform_3(%arg0: i32, %arg1: i32) -> (i32, i32, i32) {
    %add3A = arith.constant 1 : i32
    %add3A_0 = arith.addi %arg1, %add3A : i32
    %c0_i32 = arith.constant 0 : i32
    %c0_i32_1 = arith.constant 0 : i32
    return %arg0, %add3A_0, %c0_i32 : i32, i32, i32
  }
  func.func @transform_4(%arg0: i32, %arg1: i32) -> (i32, i32, i32) {
    %c0_i32 = arith.constant 0 : i32
    %c0_i32_0 = arith.constant 0 : i32
    return %arg0, %arg1, %c0_i32 : i32, i32, i32
  }
  func.func @transform_5(%arg0: i32, %arg1: i32) -> (i32, i32, i32) {
    %add3A = arith.constant 1 : i32
    %add3A_0 = arith.addi %arg1, %add3A : i32
    %c0_i32 = arith.constant 0 : i32
    %c0_i32_1 = arith.constant 0 : i32
    return %arg0, %add3A_0, %c0_i32 : i32, i32, i32
  }
  func.func @transform_6(%arg0: i32, %arg1: i32) -> (i32, i32, i32) {
    %c0_i32 = arith.constant 0 : i32
    %c0_i32_0 = arith.constant 0 : i32
    return %arg0, %arg1, %c0_i32 : i32, i32, i32
  }
  func.func @transform_7(%arg0: i32, %arg1: i32) -> (i32, i32, i32) {
    %min3A = arith.constant 1 : i32
    %min3A_0 = arith.minsi %arg1, %min3A : i32
    %c0_i32 = arith.constant 0 : i32
    %c0_i32_1 = arith.constant 0 : i32
    return %arg0, %min3A_0, %c0_i32 : i32, i32, i32
  }
  func.func @transform_8(%arg0: i32, %arg1: i32) -> (i32, i32, i32) {
    %min3A = arith.constant 1 : i32
    %min3A_0 = arith.minsi %arg1, %min3A : i32
    %c0_i32 = arith.constant 0 : i32
    %c0_i32_1 = arith.constant 0 : i32
    return %arg0, %min3A_0, %c0_i32 : i32, i32, i32
  }
  func.func @transform_9(%arg0: i32, %arg1: i32) -> (i32, i32) {
    %c0_i32 = arith.constant 0 : i32
    %c0_i32_0 = arith.constant 0 : i32
    %c0_i32_1 = arith.constant 0 : i32
    return %c0_i32, %c0_i32_0 : i32, i32
  }
  func.func @transform_10(%arg0: i32, %arg1: i32) -> (i32, i32) {
    %c0_i32 = arith.constant 0 : i32
    %c0_i32_0 = arith.constant 0 : i32
    %c0_i32_1 = arith.constant 0 : i32
    return %c0_i32, %c0_i32_0 : i32, i32
  }
  func.func @transform_11(%arg0: i32, %arg1: i32) -> (i32, i32) {
    %c0_i32 = arith.constant 0 : i32
    %c0_i32_0 = arith.constant 0 : i32
    %c0_i32_1 = arith.constant 0 : i32
    return %c0_i32, %c0_i32_0 : i32, i32
  }
  func.func @transform_12(%arg0: i32, %arg1: i32) -> (i32, i32) {
    %c0_i32 = arith.constant 0 : i32
    %c0_i32_0 = arith.constant 0 : i32
    %c0_i32_1 = arith.constant 0 : i32
    return %c0_i32, %c0_i32_0 : i32, i32
  }
  func.func @transform_13(%arg0: i32, %arg1: i32) -> (i32, i32) {
    %c0_i32 = arith.constant 0 : i32
    %c0_i32_0 = arith.constant 0 : i32
    %c0_i32_1 = arith.constant 0 : i32
    return %c0_i32, %c0_i32_0 : i32, i32
  }
  func.func @transform_14(%arg0: i32, %arg1: i32) -> (i32, i32) {
    %c0_i32 = arith.constant 0 : i32
    %c0_i32_0 = arith.constant 0 : i32
    %c0_i32_1 = arith.constant 0 : i32
    return %c0_i32, %c0_i32_0 : i32, i32
  }
  func.func @transform_15(%arg0: i32, %arg1: i32) -> (i32, i32, i32) {
    %c0_i32 = arith.constant 0 : i32
    %c0_i32_0 = arith.constant 0 : i32
    return %arg0, %arg1, %c0_i32 : i32, i32, i32
  }
}

</mosaic_0001>

<sc_bundles>
// kernel: kernel.8.cloned.1.call-start
scs
__scs_entry_jumppad:
0x0: {  	(pc) =	sbr.rel $0x88, $3  }
0x1: {  	(tag) =	ssettag $0x0;
	lr =	simm.s32 $0x1  }
0x2: {  	[smem:$0x3F92] =	sst lr;
	_ =	strace $0xD0000000  }
0x3: {  	_ = 	snop  }
0x4: {  	_ = 	snop  }
0x5: {  	_ = 	snop  }
0x6: {  	_ = 	snop  }
0x7: {  	_ = 	snop  }
__scs_overlays_trampoline_lowered:
0x8: {  	[smem:$0x3FA1] =	sst s0  }
0x9: {  	[smem:$0x3FA2] =	sst s1  }
0xa: {  	[smem:$0x3FA3] =	sst s2  }
0xb: {  	[smem:$0x3FA4] =	sst s3  }
0xc: {  	[smem:$0x3FA5] =	sst s4  }
0xd: {  	[smem:$0x3FA6] =	sst s5  }
0xe: {  	[smem:$0x3FA7] =	sst s6  }
0xf: {  	[smem:$0x3FA8] =	sst s7  }
0x10: {  	[smem:$0x3FA9] =	sst s8  }
0x11: {  	[smem:$0x3FAA] =	sst s9;
	s0 =	simm.s32 @!p0 $0x0  }
0x12: {  	s1 =	sld [smem:$0x3F90];
	s0 =	simm.s32 @p0 $0x1  }
0x13: {  	[smem:$0x3FAB] =	sst s0;
	s0 =	simm.s32 @!p1 $0x0  }
0x14: {  	s2 =	sld [smem:$0x3F8F];
	s0 =	simm.s32 @p1 $0x1  }
0x15: {  	[smem:$0x3FAC] =	sst s0;
	s0 =	simm.s32 @!p2 $0x0  }
0x16: {  	s3 =	sld [smem:$0x3FDB];
	s0 =	simm.s32 @p2 $0x1  }
0x17: {  	s4 =	simm.s32 $0x1BF5;
	[smem:$0x3FAE] =	sst s0  }
0x18: {  	s0 =	sld [smem:$0x3F91];
	_ =	swait.ge [sflag:s4], $0x0  }
0x19: {  	s7 =	sld [smem:$0x3F92]  }
0x1a: {  	s8 =	sadd.s32 $0xFFFFE003, lr  }
0x1b: {  	s9 =	sadd.s32 $0xFFFFFEF7, lr;
	s5 =	simm.s32 $0xFFFFFFFF;
	p2 =	slt.u32 s8, $0xFFFFF086  }
0x1c: {  	p1 =	slt.u32 s9, $0xF7A;
	s5 =	simm.s32 @!p2 $0x0  }
0x1d: {  	s5 =	simm.s32 @p1 $0x1;
	p0 =	seq.s32 s7, s2  }
0x1e: {  	s7 =	smul.u32 @!p0 $0xF7A, s2;
	p2 =	seq.s32 @!p0 s5, $0x0  }
0x1f: {  	s9 =	smul.u32 $0xF7A, s1;
	s8 =	simm.s32 @!p0 $0x1BF5;
	p2 =	por !p2, p0  }
0x20: {  	[sflag:s8] =	ssyncset.s32 @!p0 $0xFFFFF086;
	s6 =	sadd.s32 @!p0 s3, s7;
	s7 =	simm.s32 @!p0 $0x108  }
0x21: {  	s3 =	sadd.s32 s3, s9;
	s6 =	sadd.s32 @!p0 $0x88, s6;
	s7 =	simm.s32 @p2 $0x1082  }
0x22: {  	[simem:s7], [sflag:s8] =	dma.local @!p0 [hbm:s6], $0xF7A  }
0x23: {  	s9 =	sor.u32 $0xD0000000, s2;
	s6 =	simm.s32 $0x108;
	_ =	swait.ge @!p0 [sflag:s8], $0x0  }
0x24: {  	s3 =	sadd.s32 $0x88, s3;
	s6 =	simm.s32 @!p1 $0x1082;
	[sflag:s4] =	ssyncset.s32 $0xFFFFF086  }
0x25: {  	[simem:s6], [sflag:s4] =	dma.local [hbm:s3], $0xF7A  }
0x26: {  	[smem:$0x3F92] =	sst s1;
	(tag) =	ssettag s2;
	_ =	strace s9  }
0x27: {  	s1 =	sld [smem:$0x3FA2]  }
0x28: {  	s2 =	sld [smem:$0x3FA3]  }
0x29: {  	s4 =	sld [smem:$0x3FA5]  }
0x2a: {  	p0 =	seq.s32 s5, $0x0;
	s5 =	sld [smem:$0x3FA6]  }
0x2b: {  	s6 =	sld [smem:$0x3FA7]  }
0x2c: {  	s7 =	sld [smem:$0x3FA8]  }
0x2d: {  	s3 =	simm.s32 $0x108;
	s8 =	sld [smem:$0x3FA9]  }
0x2e: {  	s3 =	simm.s32 @!p0 $0x1082;
	s9 =	sld [smem:$0x3FAA]  }
0x2f: {  	lr =	sadd.s32 s0, s3;
	s0 =	sld [smem:$0x3FA1]  }
0x30: {  	s3 =	sld [smem:$0x3FA4]  }
0x31: {  	[smem:$0x3FAD] =	sst s10  }
0x32: {  	s10 =	sld [smem:$0x3FAB];
	_ =	sdelay $0x3  }
0x33: {  	p0 =	seq.s32 s10, $0x1;
	s10 =	sld [smem:$0x3FAD];
	_ =	sdelay $0x3  }
0x34: {  	[smem:$0x3FAD] =	sst s10  }
0x35: {  	s10 =	sld [smem:$0x3FAC];
	_ =	sdelay $0x3  }
0x36: {  	p1 =	seq.s32 s10, $0x1;
	s10 =	sld [smem:$0x3FAD];
	_ =	sdelay $0x3  }
0x37: {  	[smem:$0x3FAD] =	sst s10  }
0x38: {  	s10 =	sld [smem:$0x3FAE]  }
0x39: {  	_ = 	snop;
	(pc) =	sbr.ind lr, $3  }
0x3a: {  	_ = 	snop  }
0x3b: {  	_ = 	snop  }
0x3c: {  	p2 =	seq.s32 s10, $0x1;
	s10 =	sld [smem:$0x3FAD]  }
0x3d: {  	_ =	shalt  }
0x3e: {  	_ =	shalt  }
0x3f: {  	_ =	shalt  }
0x40: {  	_ =	shalt  }
0x41: {  	_ =	shalt  }
0x42: {  	_ =	shalt  }
0x43: {  	_ =	shalt  }
0x44: {  	_ =	shalt  }
0x45: {  	_ =	shalt  }
0x46: {  	_ =	shalt  }
0x47: {  	_ =	shalt  }
0x48: {  	_ =	shalt  }
0x49: {  	_ =	shalt  }
0x4a: {  	_ =	shalt  }
0x4b: {  	_ =	shalt  }
0x4c: {  	_ =	shalt  }
0x4d: {  	_ =	shalt  }
0x4e: {  	_ =	shalt  }
0x4f: {  	_ =	shalt  }
0x50: {  	_ =	shalt  }
0x51: {  	_ =	shalt  }
0x52: {  	_ =	shalt  }
0x53: {  	_ =	shalt  }
0x54: {  	_ =	shalt  }
0x55: {  	_ =	shalt  }
0x56: {  	_ =	shalt  }
0x57: {  	_ =	shalt  }
0x58: {  	_ =	shalt  }
0x59: {  	_ =	shalt  }
0x5a: {  	_ =	shalt  }
0x5b: {  	_ =	shalt  }
0x5c: {  	_ =	shalt  }
0x5d: {  	_ =	shalt  }
0x5e: {  	_ =	shalt  }
0x5f: {  	_ =	shalt  }
0x60: {  	_ =	shalt  }
0x61: {  	_ =	shalt  }
0x62: {  	_ =	shalt  }
0x63: {  	_ =	shalt  }
0x64: {  	_ =	shalt  }
0x65: {  	_ =	shalt  }
0x66: {  	_ =	shalt  }
0x67: {  	_ =	shalt  }
0x68: {  	_ =	shalt  }
0x69: {  	_ =	shalt  }
0x6a: {  	_ =	shalt  }
0x6b: {  	_ =	shalt  }
0x6c: {  	_ =	shalt  }
0x6d: {  	_ =	shalt  }
0x6e: {  	_ =	shalt  }
0x6f: {  	_ =	shalt  }
0x70: {  	_ =	shalt  }
0x71: {  	_ =	shalt  }
0x72: {  	_ =	shalt  }
0x73: {  	_ =	shalt  }
0x74: {  	_ =	shalt  }
0x75: {  	_ =	shalt  }
0x76: {  	_ =	shalt  }
0x77: {  	_ =	shalt  }
0x78: {  	_ =	shalt  }
0x79: {  	_ =	shalt  }
0x7a: {  	_ =	shalt  }
0x7b: {  	_ =	shalt  }
0x7c: {  	_ =	shalt  }
0x7d: {  	_ =	shalt  }
0x7e: {  	_ =	shalt  }
0x7f: {  	_ =	shalt  }
0x80: {  	_ =	shalt  }
0x81: {  	_ =	shalt  }
0x82: {  	_ =	shalt  }
0x83: {  	_ =	shalt  }
0x84: {  	_ =	shalt  }
0x85: {  	_ =	shalt  }
0x86: {  	_ =	shalt  }
0x87: {  	_ =	shalt  }
.Lfunc_end0:
.L_simem_size_0:
called_computation_lowered:
.L_overlay_start_0:
0x88: {  	s2 =	sld [smem:$0x3FD9]  }
0x89: {  	s3 =	sld [smem:$0x3FFE];
	_ =	sdelay $0x1  }
0x8a: {  	s1 =	srdreg.scid  }
0x8b: {  	s0 =	sand.u32 $0x1, s1  }
0x8c: {  	s16 =	sshll.u32 s0, $0xA;
	s2 =	sadd.s32 s3, s2  }
0x8d: {  	s2 =	sadd.s32 s2, s16  }
0x8e: {  	[smem:$0x3FB9] =	sst s2  }
0x8f: {  	_ = 	snop  }
0x90: {  	(tm) =	ssettm $0x1  }
0x91: {  	s17 =	sld [smem:$0x3FFB];
	_ =	sdelay $0x3  }
0x92: {  	_ =	strace s17  }
0x93: {  	s2 =	sld [smem:$0x3FFC];
	_ =	sdelay $0x3  }
0x94: {  	_ =	strace s2  }
0x95: {  	s2 =	sld [smem:$0x3FFD];
	_ =	sdelay $0x3  }
0x96: {  	_ =	strace s2  }
0x97: {  	_ =	strace $0x8FFFFFFF  }
0x98: {  	s18 =	sld [smem:$0x3FDB];
	_ =	sdelay $0x1  }
0x99: {  	s19 =	simm.s32 $_scs_section_size  }
0x9a: {  	s4 =	simm.s32 $_size__tile_overlayer_lowered;
	s5 =	simm.s32 $_tile_overlayer_lowered  }
0x9b: {  	s22 =	simm.s32 $0x1BFF;
	s21 =	sshll.u32 s5, $0x1;
	s2 =	sadd.s32 s19, s18  }
0x9c: {  	s6 =	simm.s32 $0x0;
	s20 =	sshll.u32 s4, $0x1;
	s4 =	sadd.s32 s21, s2  }
0x9d: {  	[timem:s6], [sflag:s22] =	dma.local [hbm:s4], s20  }
0x9e: {  	_ =	swait.ge [sflag:s22], s20  }
0x9f: {  	s3 =	ssub.s32 $0x0, s20;
	[sflag:s22] =	ssyncset.done $0x0  }
0xa0: {  	[sflag:s22] =	ssyncadd.s32 s3;
	_ =	sdelay $0x1  }
0xa1: {  	s23 =	simm.s32 $0x1B8B  }
0xa2: {  	_ =	swait.ge [sflag:s23], $0x1  }
0xa3: {  	[sflag:s23] =	ssyncset.done $0x0  }
0xa4: {  	s25 =	simm.s32 $0x1B8E;
	s24 =	sld [smem:$0x3FFE];
	[sflag:s23] =	ssyncadd.s32 $0xFFFFFFFF  }
0xa5: {  	s26 =	simm.s32 $execute0_lowered;
	[smem:$0x3FD2] =	sst s25  }
0xa6: {  	s4 =	sshll.u32 s26, $0x1;
	_ =	strace $0x80000046;
	[dreg:$0x1] =	wrdreg $0xFFFFFFFF  }
0xa7: {  	s28 =	simm.s32 $_size_execute0_lowered;
	s2 =	sadd.s32 s2, s4;
	[dreg:$0x0] =	wrdreg $0x0  }
0xa8: {  	s4 =	sshll.u32 s28, $0x1;
	[dreg:$0x2] =	wrdreg s2  }
0xa9: {  	[dreg:$0x3] =	wrdreg s4  }
0xaa: {  	[dreg:$0x4] =	wrdreg $0xC0  }
0xab: {  	_ =	task [dreg:s6], $0x5FFFF  }
0xac: {  	[dreg:$0x1] =	wrdreg $0xFFFFFFFF  }
0xad: {  	[dreg:$0x0] =	wrdreg $0x60  }
0xae: {  	[dreg:$0x2] =	wrdreg s24  }
0xaf: {  	[dreg:$0x3] =	wrdreg $0x9  }
0xb0: {  	_ =	task.clear_ibuf [dreg:s6], $0x4FFFF;
	_ =	strace $0x90000046  }
0xb1: {  	s29 =	simm.s32 $0x9;
	_ =	strace $0x80000048  }
0xb2: {  	_ =	swait.ge [sflag:s29], $0x1  }
0xb3: {  	[sflag:s29] =	ssyncadd.s32 $0xFFFFFFFF  }
0xb4: {  	_ =	strace $0x90000048  }
0xb5: {  	_ =	sfence  }
0xb6: {  	s30 =	sld [smem:$0x0];
	_ =	sdelay $0x2  }
0xb7: {  	s31 =	sshll.u32 s1, $0xD;
	s1 =	sshrl.u32 s1, $0x2  }
0xb8: {  	s3 =	sand.u32 $0x4000, s31;
	s1 =	sadd.s32 s1, s30  }
0xb9: {  	s0 =	sor.u32 s3, s0;
	s1 =	sshll.u32 s1, $0x11  }
0xba: {  	s0 =	sor.u32 s1, s0  }
0xbb: {  	s0 =	sadd.s32 $0x8F2B, s0  }
0xbc: {  	[sflag:s0] =	ssyncadd.remote.s32 $0x1  }
0xbd: {  	_ =	sfence.sel $0xFFFF  }
0xbe: {  	[dreg:$0x0] =	wrdreg $0xFFFFFFFF;
	(pc) =	sbr.abs _section_cstart, $3  }
0xbf: {  	[dreg:$0x1] =	wrdreg $0xFFFFFFFF  }
0xc0: {  	_ =	task.clear_ibuf [dreg:s6], $0x2FFFF;
	_ =	strace $0x9FFFFFFF  }
0xc1: {  	(tm) =	ssettm $0x7FFFFFFF  }
tec
execute0_lowered:
.L_overlay_start_1:
0x0: {  	(tag) =	ssettag $0x1  }
0x1: {  	s1 =	srdreg.scid;
	s0 =	stileid.u32  }
0x2: {  	s4 =	rddreg [dreg:$0x0];
	s19 =	simm.s32 $0x880;
	s20 =	simm.s32 $0x1080  }
0x3: {  	s21 =	simm.s32 $0x1880;
	s22 =	simm.s32 $0x2080;
	s23 =	simm.s32 $0x2880  }
0x4: {  	s24 =	simm.s32 $0x3080;
	s25 =	simm.s32 $0x3880;
	s26 =	simm.s32 $0x4080  }
0x5: {  	s7 =	simm.s32 $0x80;
	s9 =	simm.s32 $0x5080;
	s10 =	simm.s32 $0x5880  }
0x6: {  	s11 =	simm.s32 $0x6080;
	s12 =	simm.s32 $0x6880;
	s1 =	sand.u32 $0x1, s1  }
0x7: {  	s13 =	simm.s32 $0x7080;
	s2 =	sshll.u32 s0, $0x8;
	s3 =	sshll.u32 s1, $0x7  }
0x8: {  	s14 =	simm.s32 $0x7880;
	s3 =	sor.u32 s3, s2;
	s2 =	simm.s32 $0x0  }
0x9: {  	s15 =	simm.s32 $0x8080;
	s16 =	simm.s32 $0x8880;
	[smem:$0x7FF] =	sst s2  }
0xa: {  	s17 =	simm.s32 $0x9080;
	_ =	strace $0x80000047;
	[dreg:$0x4] =	wrdreg s19  }
0xb: {  	s18 =	simm.s32 $0x9880;
	s28 =	simm.s32 $0xE080;
	[dreg:$0x5] =	wrdreg s20  }
0xc: {  	s29 =	simm.s32 $0xE880;
	s30 =	simm.s32 $0xF080;
	[dreg:$0x6] =	wrdreg s21  }
0xd: {  	s31 =	simm.s32 $0xF880;
	s1 =	ssub.s32 $0x2, s1;
	[dreg:$0x7] =	wrdreg s22  }
0xe: {  	s6 =	sshrl.u32 s1, $0x1;
	s5 =	sshrl.u32 s3, $0x3;
	[dreg:$0x8] =	wrdreg s23  }
0xf: {  	s3 =	sshll.u32 s3, $0x6;
	s1 =	ssub.s32 s1, s6;
	[dreg:$0x9] =	wrdreg s24  }
0x10: {  	s6 =	simm.s32 $0x2;
	s5 =	sadd.s32 s5, s4;
	[dreg:$0xa] =	wrdreg s25  }
0x11: {  	s3 =	sadd.s32 s3, s4;
	[dreg:$0xb] =	wrdreg s26;
	s19 =	simm.s32 $0xA080  }
0x12: {  	s20 =	simm.s32 $0xA880;
	s21 =	simm.s32 $0xB080;
	s22 =	simm.s32 $0xB880  }
0x13: {  	s23 =	simm.s32 $0xC080;
	s24 =	simm.s32 $0xC880;
	s5 =	sadd.s32 $0x101A00, s5  }
0x14: {  	v2 =	vlaneseq.u32;
	s25 =	simm.s32 $0xD080;
	s3 =	sadd.s32 $0xC1A00, s3;
	[dreg:$0x2] =	wrdreg s5  }
0x15: {  	vm0 =	vmmov $0xffff;
	v1 =	vshrl.u32 v2, $0x3;
	s26 =	simm.s32 $0xD880;
	[dreg:$0x3] =	wrdreg s3;
	s3 =	sadd.s32 $0x101C00, s4  }
0x16: {  	v0 =	vand.u32 $0x7, v2;
	v2 =	vor.u32 $0x8, v2;
	v1 =	vmul.u32 $0x8, v1;
	s4 =	sadd.s32 $0x101D00, s4;
	s5 =	smax.u32 s1, $0x1;
	s1 =	simm.s32 $0x1  }
.LBB2_1:
0x17: {  	s0 =	rddreg [dreg:$0x2]  }
0x18: {  	[tilespmem:s2], [sflag:$0x2] =	stream.linear.gather [hbm4b:s0+s2], $0x80, $0x38;
	[tilespmem:$0x10080] =	vst v63  }
0x19: {  	_ =	swait.ge [sflag:s6], $0x80  }
0x1a: {  	[sflag:s6] =	ssyncset.done $0x0  }
0x1b: {  	s8 =	rddreg [dreg:$0x3];
	[sflag:s6] =	ssyncadd.s32 $0xFFFFFF80  }
0x1c: {  	[tilespmem:s7], [sflag:$0x2] =	stream.linear.gather [hbm4b:s8+s2], $0x10000, $0x38;
	[tilespmem:$0x10080] =	vst v63  }
0x1d: {  	_ =	swait.ge [sflag:s6], $0x10000  }
0x1e: {  	[sflag:s6] =	ssyncset.done $0x0  }
0x1f: {  	[sflag:s6] =	ssyncadd.s32 $0xFFFF0000  }
0x20: {  	v3 =	vld [tilespmem:$0x0];
	_ =	sdelay $0x4  }
0x21: {  	v4 =	vshll.u32 v3, $0x2  }
0x22: {  	v3 =	vand.u32 $0x7, v3;
	v4 =	vand.u32 $0xFFFFFFE0, v4  }
0x23: {  	v3 =	vor.u32 v3, v4  }
0x24: {  	v4 =	vperm.xlane v3, v0;
	_ =	sdelay $0x1  }
0x25: {  	v4 =	vadd.s32 v1, v4;
	_ =	sdelay $0x1  }
0x26: {  	v3 =	vperm.xlane v3, v2;
	_ =	sdelay $0x1  }
0x27: {  	v3 =	vadd.s32 v1, v3  }
0x28: {  	[hbm4b:s3+s2] =	stream.indirect_vreg.scatter [tilespmem:s7], [sflag:$0x1], $0x80, v4, vm0, $0xb8;
	[tilespmem:$0x10080] =	vst v63  }
0x29: {  	s0 =	rddreg [dreg:$0x4]  }
0x2a: {  	[hbm4b:s4+s2] =	stream.indirect_vreg.scatter [tilespmem:s0], [sflag:$0x1], $0x80, v4, vm0, $0xb8;
	[tilespmem:$0x10080] =	vst v63  }
0x2b: {  	s8 =	rddreg [dreg:$0x5]  }
0x2c: {  	[hbm4b:s3+s2] =	stream.indirect_vreg.scatter [tilespmem:s8], [sflag:$0x1], $0x80, v3, vm0, $0xb8;
	[tilespmem:$0x10080] =	vst v63  }
0x2d: {  	s0 =	rddreg [dreg:$0x6]  }
0x2e: {  	[hbm4b:s4+s2] =	stream.indirect_vreg.scatter [tilespmem:s0], [sflag:$0x1], $0x80, v3, vm0, $0xb8;
	[tilespmem:$0x10080] =	vst v63  }
0x2f: {  	v3 =	vld [tilespmem:$0x10];
	_ =	sdelay $0x4  }
0x30: {  	v57 =	vshll.u32 v3, $0x2  }
0x31: {  	v3 =	vand.u32 $0x7, v3;
	v4 =	vand.u32 $0xFFFFFFE0, v57  }
0x32: {  	v3 =	vor.u32 v3, v4  }
0x33: {  	v4 =	vperm.xlane v3, v0;
	_ =	sdelay $0x1  }
0x34: {  	v4 =	vadd.s32 v1, v4;
	_ =	sdelay $0x1  }
0x35: {  	v3 =	vperm.xlane v3, v2;
	_ =	sdelay $0x1  }
0x36: {  	s0 =	rddreg [dreg:$0x7];
	v3 =	vadd.s32 v1, v3  }
0x37: {  	[hbm4b:s3+s2] =	stream.indirect_vreg.scatter [tilespmem:s0], [sflag:$0x1], $0x80, v4, vm0, $0xb8;
	[tilespmem:$0x10080] =	vst v63  }
0x38: {  	s8 =	rddreg [dreg:$0x8]  }
0x39: {  	[hbm4b:s4+s2] =	stream.indirect_vreg.scatter [tilespmem:s8], [sflag:$0x1], $0x80, v4, vm0, $0xb8;
	[tilespmem:$0x10080] =	vst v63  }
0x3a: {  	s0 =	rddreg [dreg:$0x9]  }
0x3b: {  	[hbm4b:s3+s2] =	stream.indirect_vreg.scatter [tilespmem:s0], [sflag:$0x1], $0x80, v3, vm0, $0xb8;
	[tilespmem:$0x10080] =	vst v63  }
0x3c: {  	s8 =	rddreg [dreg:$0xa]  }
0x3d: {  	[hbm4b:s4+s2] =	stream.indirect_vreg.scatter [tilespmem:s8], [sflag:$0x1], $0x80, v3, vm0, $0xb8;
	[tilespmem:$0x10080] =	vst v63  }
0x3e: {  	v3 =	vld [tilespmem:$0x20];
	_ =	sdelay $0x4  }
0x3f: {  	v58 =	vshll.u32 v3, $0x2  }
0x40: {  	v3 =	vand.u32 $0x7, v3;
	v4 =	vand.u32 $0xFFFFFFE0, v58  }
0x41: {  	v3 =	vor.u32 v3, v4  }
0x42: {  	v4 =	vperm.xlane v3, v0;
	_ =	sdelay $0x1  }
0x43: {  	v4 =	vadd.s32 v1, v4;
	_ =	sdelay $0x1  }
0x44: {  	v3 =	vperm.xlane v3, v2;
	_ =	sdelay $0x1  }
0x45: {  	s8 =	rddreg [dreg:$0xb];
	v3 =	vadd.s32 v1, v3  }
0x46: {  	[hbm4b:s3+s2] =	stream.indirect_vreg.scatter [tilespmem:s8], [sflag:$0x1], $0x80, v4, vm0, $0xb8;
	[tilespmem:$0x10080] =	vst v63  }
0x47: {  	s8 =	simm.s32 $0x4880  }
0x48: {  	[hbm4b:s4+s2] =	stream.indirect_vreg.scatter [tilespmem:s8], [sflag:$0x1], $0x80, v4, vm0, $0xb8;
	[tilespmem:$0x10080] =	vst v63  }
0x49: {  	_ = 	snop  }
0x4a: {  	[hbm4b:s3+s2] =	stream.indirect_vreg.scatter [tilespmem:s9], [sflag:$0x1], $0x80, v3, vm0, $0xb8;
	[tilespmem:$0x10080] =	vst v63  }
0x4b: {  	_ = 	snop  }
0x4c: {  	[hbm4b:s4+s2] =	stream.indirect_vreg.scatter [tilespmem:s10], [sflag:$0x1], $0x80, v3, vm0, $0xb8;
	[tilespmem:$0x10080] =	vst v63  }
0x4d: {  	v3 =	vld [tilespmem:$0x30];
	_ =	sdelay $0x4  }
0x4e: {  	v59 =	vshll.u32 v3, $0x2  }
0x4f: {  	v3 =	vand.u32 $0x7, v3;
	v4 =	vand.u32 $0xFFFFFFE0, v59  }
0x50: {  	v3 =	vor.u32 v3, v4  }
0x51: {  	v4 =	vperm.xlane v3, v0;
	_ =	sdelay $0x1  }
0x52: {  	v4 =	vadd.s32 v1, v4;
	_ =	sdelay $0x1  }
0x53: {  	v3 =	vperm.xlane v3, v2;
	_ =	sdelay $0x1  }
0x54: {  	v3 =	vadd.s32 v1, v3  }
0x55: {  	[hbm4b:s3+s2] =	stream.indirect_vreg.scatter [tilespmem:s11], [sflag:$0x1], $0x80, v4, vm0, $0xb8;
	[tilespmem:$0x10080] =	vst v63  }
0x56: {  	_ = 	snop  }
0x57: {  	[hbm4b:s4+s2] =	stream.indirect_vreg.scatter [tilespmem:s12], [sflag:$0x1], $0x80, v4, vm0, $0xb8;
	[tilespmem:$0x10080] =	vst v63  }
0x58: {  	_ = 	snop  }
0x59: {  	[hbm4b:s3+s2] =	stream.indirect_vreg.scatter [tilespmem:s13], [sflag:$0x1], $0x80, v3, vm0, $0xb8;
	[tilespmem:$0x10080] =	vst v63  }
0x5a: {  	_ = 	snop  }
0x5b: {  	[hbm4b:s4+s2] =	stream.indirect_vreg.scatter [tilespmem:s14], [sflag:$0x1], $0x80, v3, vm0, $0xb8;
	[tilespmem:$0x10080] =	vst v63  }
0x5c: {  	v3 =	vld [tilespmem:$0x40];
	_ =	sdelay $0x4  }
0x5d: {  	v60 =	vshll.u32 v3, $0x2  }
0x5e: {  	v3 =	vand.u32 $0x7, v3;
	v4 =	vand.u32 $0xFFFFFFE0, v60  }
0x5f: {  	v3 =	vor.u32 v3, v4  }
0x60: {  	v4 =	vperm.xlane v3, v0;
	_ =	sdelay $0x1  }
0x61: {  	v4 =	vadd.s32 v1, v4;
	_ =	sdelay $0x1  }
0x62: {  	v3 =	vperm.xlane v3, v2;
	_ =	sdelay $0x1  }
0x63: {  	v3 =	vadd.s32 v1, v3  }
0x64: {  	[hbm4b:s3+s2] =	stream.indirect_vreg.scatter [tilespmem:s15], [sflag:$0x1], $0x80, v4, vm0, $0xb8;
	[tilespmem:$0x10080] =	vst v63  }
0x65: {  	_ = 	snop  }
0x66: {  	[hbm4b:s4+s2] =	stream.indirect_vreg.scatter [tilespmem:s16], [sflag:$0x1], $0x80, v4, vm0, $0xb8;
	[tilespmem:$0x10080] =	vst v63  }
0x67: {  	_ = 	snop  }
0x68: {  	[hbm4b:s3+s2] =	stream.indirect_vreg.scatter [tilespmem:s17], [sflag:$0x1], $0x80, v3, vm0, $0xb8;
	[tilespmem:$0x10080] =	vst v63  }
0x69: {  	_ = 	snop  }
0x6a: {  	[hbm4b:s4+s2] =	stream.indirect_vreg.scatter [tilespmem:s18], [sflag:$0x1], $0x80, v3, vm0, $0xb8;
	[tilespmem:$0x10080] =	vst v63  }
0x6b: {  	v3 =	vld [tilespmem:$0x50];
	_ =	sdelay $0x4  }
0x6c: {  	v61 =	vshll.u32 v3, $0x2  }
0x6d: {  	v3 =	vand.u32 $0x7, v3;
	v4 =	vand.u32 $0xFFFFFFE0, v61  }
0x6e: {  	v3 =	vor.u32 v3, v4  }
0x6f: {  	v4 =	vperm.xlane v3, v0;
	_ =	sdelay $0x1  }
0x70: {  	v4 =	vadd.s32 v1, v4;
	_ =	sdelay $0x1  }
0x71: {  	v3 =	vperm.xlane v3, v2;
	_ =	sdelay $0x1  }
0x72: {  	v3 =	vadd.s32 v1, v3  }
0x73: {  	[hbm4b:s3+s2] =	stream.indirect_vreg.scatter [tilespmem:s19], [sflag:$0x1], $0x80, v4, vm0, $0xb8;
	[tilespmem:$0x10080] =	vst v63  }
0x74: {  	_ = 	snop  }
0x75: {  	[hbm4b:s4+s2] =	stream.indirect_vreg.scatter [tilespmem:s20], [sflag:$0x1], $0x80, v4, vm0, $0xb8;
	[tilespmem:$0x10080] =	vst v63  }
0x76: {  	_ = 	snop  }
0x77: {  	[hbm4b:s3+s2] =	stream.indirect_vreg.scatter [tilespmem:s21], [sflag:$0x1], $0x80, v3, vm0, $0xb8;
	[tilespmem:$0x10080] =	vst v63  }
0x78: {  	_ = 	snop  }
0x79: {  	[hbm4b:s4+s2] =	stream.indirect_vreg.scatter [tilespmem:s22], [sflag:$0x1], $0x80, v3, vm0, $0xb8;
	[tilespmem:$0x10080] =	vst v63  }
0x7a: {  	v3 =	vld [tilespmem:$0x60];
	_ =	sdelay $0x4  }
0x7b: {  	v62 =	vshll.u32 v3, $0x2  }
0x7c: {  	v3 =	vand.u32 $0x7, v3;
	v4 =	vand.u32 $0xFFFFFFE0, v62  }
0x7d: {  	v3 =	vor.u32 v3, v4  }
0x7e: {  	v4 =	vperm.xlane v3, v0;
	_ =	sdelay $0x1  }
0x7f: {  	v4 =	vadd.s32 v1, v4;
	_ =	sdelay $0x1  }
0x80: {  	v3 =	vperm.xlane v3, v2;
	_ =	sdelay $0x1  }
0x81: {  	v3 =	vadd.s32 v1, v3  }
0x82: {  	[hbm4b:s3+s2] =	stream.indirect_vreg.scatter [tilespmem:s23], [sflag:$0x1], $0x80, v4, vm0, $0xb8;
	[tilespmem:$0x10080] =	vst v63  }
0x83: {  	_ = 	snop  }
0x84: {  	[hbm4b:s4+s2] =	stream.indirect_vreg.scatter [tilespmem:s24], [sflag:$0x1], $0x80, v4, vm0, $0xb8;
	[tilespmem:$0x10080] =	vst v63  }
0x85: {  	_ = 	snop  }
0x86: {  	[hbm4b:s3+s2] =	stream.indirect_vreg.scatter [tilespmem:s25], [sflag:$0x1], $0x80, v3, vm0, $0xb8;
	[tilespmem:$0x10080] =	vst v63  }
0x87: {  	_ = 	snop  }
0x88: {  	[hbm4b:s4+s2] =	stream.indirect_vreg.scatter [tilespmem:s26], [sflag:$0x1], $0x80, v3, vm0, $0xb8;
	[tilespmem:$0x10080] =	vst v63  }
0x89: {  	v3 =	vld [tilespmem:$0x70];
	_ =	sdelay $0x4  }
0x8a: {  	v63 =	vshll.u32 v3, $0x2  }
0x8b: {  	v3 =	vand.u32 $0x7, v3;
	v4 =	vand.u32 $0xFFFFFFE0, v63  }
0x8c: {  	v3 =	vor.u32 v3, v4  }
0x8d: {  	v4 =	vperm.xlane v3, v0;
	_ =	sdelay $0x1  }
0x8e: {  	v4 =	vadd.s32 v1, v4;
	_ =	sdelay $0x1  }
0x8f: {  	v3 =	vperm.xlane v3, v2;
	_ =	sdelay $0x1  }
0x90: {  	v3 =	vadd.s32 v1, v3  }
0x91: {  	[hbm4b:s3+s2] =	stream.indirect_vreg.scatter [tilespmem:s28], [sflag:$0x1], $0x80, v4, vm0, $0xb8;
	[tilespmem:$0x10080] =	vst v63  }
0x92: {  	_ = 	snop  }
0x93: {  	[hbm4b:s4+s2] =	stream.indirect_vreg.scatter [tilespmem:s29], [sflag:$0x1], $0x80, v4, vm0, $0xb8;
	[tilespmem:$0x10080] =	vst v63  }
0x94: {  	p0 =	sne.s32 s5, $0x1  }
0x95: {  	[hbm4b:s3+s2] =	stream.indirect_vreg.scatter [tilespmem:s30], [sflag:$0x1], $0x80, v3, vm0, $0xb8;
	[tilespmem:$0x10080] =	vst v63  }
.Ltmp0:
0x96: {  	_ = 	snop;
	(pc) =	sbr.rel @p0 .LBB2_1-.Ltmp0, $4  }
0x97: {  	[hbm4b:s4+s2] =	stream.indirect_vreg.scatter [tilespmem:s31], [sflag:$0x1], $0x80, v3, vm0, $0xb8;
	[tilespmem:$0x10080] =	vst v63  }
0x98: {  	_ =	swait.ge [sflag:s1], $0x10000  }
0x99: {  	[sflag:s1] =	ssyncset.done $0x0  }
0x9a: {  	s5 =	sadd.s32 $0xFFFFFFFF, s5;
	[sflag:s1] =	ssyncadd.s32 $0xFFFF0000  }
0x9b: {  	_ =	sfence.sel $0x180000  }
0x9c: {  	[bflag:$0x0] =	sbarrier.arrive $0xFFFF  }
0x9d: {  	_ =	strace $0x90000047  }
0x9e: {  	s0 =	stileid.u32;
	[bflag:$0x2] =	sbarrier.arrive $0xFFFF  }
0x9f: {  	p0 =	sne.s32 s0, $0x0;
	s0 =	rddreg [dreg:$0x1]  }
0xa0: {  	s0 =	sadd.s32 @!p0 $0x100000, s0  }
0xa1: {  	[sflag:s0] =	ssyncadd.tile.s32 @!p0 $0x1;
	_ =	shalt  }
.Lfunc_end2:
_tile_overlayer_lowered:
.L_overlay_start_2:
0xa2: {  	(tag) =	ssettag $0x2  }
0xa3: {  	s0 =	rddreg [dreg:$0x0];
	s2 =	stileid.u32  }
0xa4: {  	s1 =	rddreg [dreg:$0x1];
	p0 =	sne.s32 s2, $0x0  }
0xa5: {  	s3 =	rddreg [dreg:$0x2];
	[bflag:$0x3] =	sbarrier.arrive $0xFFFF;
	s2 =	simm.s32 @!p0 $0x1C02  }
0xa6: {  	[timem:s3], [sflag:s2] =	dma.local @!p0 [hbm:s0], s1  }
0xa7: {  	s0 =	simm.s32 @!p0 $0x2  }
0xa8: {  	_ =	swait.ge @!p0 [sflag:s0], s1  }
0xa9: {  	s1 =	ssub.s32 @!p0 $0x0, s1;
	[sflag:s0] =	ssyncset.done @!p0 $0x0  }
0xaa: {  	[sflag:s0] =	ssyncadd.s32 @!p0 s1  }
0xab: {  	[bflag:$0x3] =	sbarrier.arrive $0xFFFF  }
0xac: {  	_ =	shalt  }

</sc_bundles>
